<compile_context>
chip_gen: v7x
topology: tpu7x:2x2x1
jax: 0.10.2.dev20260603
libtpu: 0.0.44.dev20260713+nightly
codegen_flags: <defaults>
</compile_context>

<pallas_src>
import functools

import jax
import jax.numpy as jnp
from jax import lax
from jax.experimental import pallas as pl
from jax.experimental.pallas import tpu as pltpu
from jax.experimental.pallas import tpu_sc as plsc

_L = 200
_D = 64
_LANES = 16
_SEQ_PER_CHUNK = 2
_CL = _SEQ_PER_CHUNK * _L
_NBUF = 3
_DEPTH = 2


def _emb_body(tok_hbm, idx_hbm, pos_hbm, out_hbm,
              idx_all, pos_v, b0, b1, b2,
              g0, g1, g2, o0, o1, o2,
              *, seqs_per_w, num_cores):
    bufs = (b0, b1, b2)
    gsems = (g0, g1, g2)
    osems = (o0, o1, o2)
    nrows = seqs_per_w * _L
    nchunks = nrows // _CL
    wid = lax.axis_index("s") * num_cores + lax.axis_index("c")
    base = pl.multiple_of(wid * nrows, _CL)

    pltpu.sync_copy(pos_hbm, pos_v)
    pltpu.sync_copy(idx_hbm.at[pl.ds(base, nrows)], idx_all)

    def start_gather(c, b):
        off = pl.multiple_of(c * _CL, 8)
        pltpu.async_copy(tok_hbm.at[idx_all.at[pl.ds(off, _CL)]],
                         bufs[b], gsems[b])

    def drain_gather(b):
        pltpu.make_async_copy(tok_hbm.at[pl.ds(0, _CL)], bufs[b],
                              gsems[b]).wait()

    def start_out(c, b):
        off = pl.multiple_of(base + c * _CL, _CL)
        pltpu.async_copy(bufs[b],
                         out_hbm.at[pl.ds(off, _CL), pl.ds(0, _D)],
                         osems[b])

    def drain_out(b):
        pltpu.make_async_copy(bufs[b], out_hbm.at[pl.ds(0, _CL), pl.ds(0, _D)],
                              osems[b]).wait()

    def add_pos(b):
        def add_row(l, c2):
            buf = bufs[b]
            for k in range(_D // _LANES):
                sl = pl.ds(k * _LANES, _LANES)
                p = pos_v[l, sl]
                for s in range(_SEQ_PER_CHUNK):
                    r = s * _L + l
                    buf[r, sl] = buf[r, sl] + p
            return c2
        lax.fori_loop(0, _L, add_row, 0, unroll=2)

    def process(c, b):
        drain_gather(b)
        add_pos(b)
        start_out(c, b)
        b2_ = (b + _DEPTH) % _NBUF

        @pl.when(c + _DEPTH < nchunks)
        def _():
            @pl.when(c >= 1)
            def _():
                drain_out(b2_)
            start_gather(c + _DEPTH, b2_)

    for b in range(_DEPTH):
        start_gather(b, b)

    def wave(w, carry):
        for b in range(_NBUF):
            process(w * _NBUF + b, b)
        return carry

    lax.fori_loop(0, (nchunks - 1) // _NBUF, wave, 0)
    process(nchunks - 1, (nchunks - 1) % _NBUF)
    for b in range(_NBUF):
        drain_out(b)


_TBLK = 16384


def _tpad_body(tT_ref, out_ref):
    r = tT_ref[...].T
    out_ref[...] = jnp.concatenate([r, r], axis=1)


def kernel(x, token_table, pos_table):
    B, L = x.shape
    V, D = token_table.shape
    assert L == _L and D == _D
    info = plsc.get_sparse_core_info()
    nw = info.num_cores * info.num_subcores
    assert B % nw == 0
    seqs_per_w = B // nw

    mesh = plsc.VectorSubcoreMesh(core_axis_name="c", subcore_axis_name="s")
    nblk = (V + _TBLK - 1) // _TBLK
    tok_pad = pl.pallas_call(
        _tpad_body,
        grid=(nblk,),
        in_specs=[pl.BlockSpec((_D, _TBLK), lambda i: (0, i))],
        out_specs=pl.BlockSpec((_TBLK, 2 * _D), lambda i: (i, 0)),
        out_shape=jax.ShapeDtypeStruct((V, 2 * D), jnp.float32),
    )(token_table.T)
    tok2 = tok_pad.reshape(2 * V, D)
    flat_idx = x.reshape(B * L).astype(jnp.int32) * 2

    sems = [pltpu.SemaphoreType.DMA] * (2 * _NBUF)
    emb = functools.partial(
        pl.kernel,
        mesh=mesh,
        out_type=jax.ShapeDtypeStruct((B * L, 2 * D), jnp.float32),
        scratch_types=[
            pltpu.VMEM((seqs_per_w * _L,), jnp.int32),
            pltpu.VMEM((_L, _D), jnp.float32),
        ] + [pltpu.VMEM((_CL, _D), jnp.float32) for _ in range(_NBUF)]
          + sems,
        compiler_params=pltpu.CompilerParams(use_tc_tiling_on_sc=False),
    )(functools.partial(_emb_body, seqs_per_w=seqs_per_w,
                        num_cores=info.num_cores))

    out = emb(tok2, flat_idx, pos_table)
    return out[:, :_D].reshape(B, L, D)

# --- scband reference (transcript-rebuilt; emitter-appended) ---
"""Pipeline reference for scband-token-and-position-embedding-68633577390549 (READ-ONLY COPY).

The authoritative reference and input builder live on the scoring server;
editing this copy changes nothing except your own understanding.
"""

import jax, jax.numpy as jnp
import numpy as np

MAXLEN = 200
VOCAB = 1000000
EMBED_DIM = 64
BATCH = 4096

def setup_inputs(seed: int = 0) -> dict:
    key = jax.random.key(seed)
    k1, k2, k3 = jax.random.split(key, 3)
    x = jax.random.randint(k1, (BATCH, MAXLEN), 0, VOCAB, dtype=jnp.int64 if jax.config.jax_enable_x64 else jnp.int32)
    token_table = jax.random.normal(k2, (VOCAB, EMBED_DIM), dtype=jnp.float32) * 0.05
    pos_table = jax.random.normal(k3, (MAXLEN, EMBED_DIM), dtype=jnp.float32) * 0.05
    return {"x": x, "token_table": token_table, "pos_table": pos_table}

def reference(x, token_table, pos_table):
    # positions = pos_emb(range(seq_len)); out = token_emb(x) + positions
    seq_len = x.shape[-1]
    positions = jnp.take(pos_table, jnp.arange(seq_len), axis=0)  # [L, D]
    tok = jnp.take(token_table, x, axis=0)                         # [B, L, D]
    return tok + positions[None, :, :]

if __name__ == "__main__":
    import jax
    _d = setup_inputs()
    print(jax.jit(kernel)(*tuple(_d.values())))

</pallas_src>

<mosaic_0001>
#map = affine_map<(d0, d1) -> (0, 0)>
#map1 = affine_map<(d0, d1) -> (0)>
module attributes {stable_mosaic.version = 14 : i64} {
  func.func @_emb_body(%arg0: i32, %arg1: i32, %arg2: memref<2000000x64xf32, #tpu.memory_space<hbm>>, %arg3: memref<819200xi32, #tpu.memory_space<hbm>>, %arg4: memref<200x64xf32, #tpu.memory_space<hbm>>, %arg5: memref<819200x128xf32, #tpu.memory_space<hbm>>, %arg6: memref<25600xi32, #tpu.memory_space<vmem>>, %arg7: memref<200x64xf32, #tpu.memory_space<vmem>>, %arg8: memref<400x64xf32, #tpu.memory_space<vmem>>, %arg9: memref<400x64xf32, #tpu.memory_space<vmem>>, %arg10: memref<400x64xf32, #tpu.memory_space<vmem>>, %arg11: memref<!tpu.dma_semaphore, #tpu.memory_space<semaphore_mem>>, %arg12: memref<!tpu.dma_semaphore, #tpu.memory_space<semaphore_mem>>, %arg13: memref<!tpu.dma_semaphore, #tpu.memory_space<semaphore_mem>>, %arg14: memref<!tpu.dma_semaphore, #tpu.memory_space<semaphore_mem>>, %arg15: memref<!tpu.dma_semaphore, #tpu.memory_space<semaphore_mem>>, %arg16: memref<!tpu.dma_semaphore, #tpu.memory_space<semaphore_mem>>) attributes {dimension_semantics = [#tpu.dimension_semantics<core_parallel>, #tpu.dimension_semantics<subcore_parallel>], iteration_bounds = array<i64: 2, 16>, scalar_prefetch = 0 : i64, scratch_operands = 11 : i64, tpu.core_type = #tpu.core_type<sc_vector_subcore>, window_params = [{transform_indices = #map}, {transform_indices = #map1}, {transform_indices = #map}, {transform_indices = #map}]} {
    %mul3A = arith.constant 2 : i32
    %mul3A_0 = arith.muli %arg1, %mul3A : i32
    %add3A = arith.addi %mul3A_0, %arg0 : i32
    %mul3A_1 = arith.constant 25600 : i32
    %mul3A_2 = arith.muli %add3A, %mul3A_1 : i32
    %multiple_of3A = tpu.assume_multiple %mul3A_2, 400 : i32
    "tpu.region"() ({
      %run_scoped3A = tpu.sem_alloc : memref<!tpu.dma_semaphore, #tpu.memory_space<semaphore_mem>>
      tpu.enqueue_dma source(%arg4 : memref<200x64xf32, #tpu.memory_space<hbm>>) target(%arg7 : memref<200x64xf32, #tpu.memory_space<vmem>>) target_semaphore(%run_scoped3A : memref<!tpu.dma_semaphore, #tpu.memory_space<semaphore_mem>>)
      tpu.wait_dma2 semaphore(%run_scoped3A : memref<!tpu.dma_semaphore, #tpu.memory_space<semaphore_mem>>) src(%arg4 : memref<200x64xf32, #tpu.memory_space<hbm>>) dst(%arg7 : memref<200x64xf32, #tpu.memory_space<vmem>>)
      tpu.yield
    }) : () -> ()
    "tpu.region"() ({
      %run_scoped3A = tpu.sem_alloc : memref<!tpu.dma_semaphore, #tpu.memory_space<semaphore_mem>>
      %dma_start3A_55 = tpu.memref_slice %arg3[%multiple_of3A] : memref<819200xi32, #tpu.memory_space<hbm>> -> memref<25600xi32, #tpu.memory_space<hbm>>
      %dma_start3A_56 = tpu.memref_slice %arg3[%multiple_of3A] : memref<819200xi32, #tpu.memory_space<hbm>> -> memref<25600xi32, #tpu.memory_space<hbm>>
      tpu.enqueue_dma source(%dma_start3A_56 : memref<25600xi32, #tpu.memory_space<hbm>>) target(%arg6 : memref<25600xi32, #tpu.memory_space<vmem>>) target_semaphore(%run_scoped3A : memref<!tpu.dma_semaphore, #tpu.memory_space<semaphore_mem>>)
      %dma_wait3A_57 = tpu.memref_slice %arg3[%multiple_of3A] : memref<819200xi32, #tpu.memory_space<hbm>> -> memref<25600xi32, #tpu.memory_space<hbm>>
      %dma_wait3A_58 = tpu.memref_slice %arg3[%multiple_of3A] : memref<819200xi32, #tpu.memory_space<hbm>> -> memref<25600xi32, #tpu.memory_space<hbm>>
      tpu.wait_dma2 semaphore(%run_scoped3A : memref<!tpu.dma_semaphore, #tpu.memory_space<semaphore_mem>>) src(%dma_wait3A_58 : memref<25600xi32, #tpu.memory_space<hbm>>) dst(%arg6 : memref<25600xi32, #tpu.memory_space<vmem>>)
      tpu.yield
    }) : () -> ()
    %multiple_of3A_3 = arith.constant 0 : i32
    %multiple_of3A_4 = tpu.assume_multiple %multiple_of3A_3, 8 : i32
    %dma_start3A = tpu.memref_slice %arg6[%multiple_of3A_4] : memref<25600xi32, #tpu.memory_space<vmem>> -> memref<400xi32, #tpu.memory_space<vmem>>
    %dma_start3A_5 = arith.constant 0 : i32
    %dma_start3A_6 = arith.constant 0 : i32
    %dma_start3A_7 = tpu.memref_slice %arg2[%dma_start3A_5, %dma_start3A_6] : memref<2000000x64xf32, #tpu.memory_space<hbm>> -> memref<2000000x64xf32, #tpu.memory_space<hbm>>
    tpu.enqueue_indirect_dma source(%dma_start3A_7 : memref<2000000x64xf32, #tpu.memory_space<hbm>>) target(%arg8 : memref<400x64xf32, #tpu.memory_space<vmem>>) offsets(%dma_start3A : memref<400xi32, #tpu.memory_space<vmem>>) semaphore(%arg11 : memref<!tpu.dma_semaphore, #tpu.memory_space<semaphore_mem>>)
    %multiple_of3A_8 = arith.constant 400 : i32
    %multiple_of3A_9 = tpu.assume_multiple %multiple_of3A_8, 8 : i32
    %dma_start3A_10 = tpu.memref_slice %arg6[%multiple_of3A_9] : memref<25600xi32, #tpu.memory_space<vmem>> -> memref<400xi32, #tpu.memory_space<vmem>>
    %dma_start3A_11 = arith.constant 0 : i32
    %dma_start3A_12 = arith.constant 0 : i32
    %dma_start3A_13 = tpu.memref_slice %arg2[%dma_start3A_11, %dma_start3A_12] : memref<2000000x64xf32, #tpu.memory_space<hbm>> -> memref<2000000x64xf32, #tpu.memory_space<hbm>>
    tpu.enqueue_indirect_dma source(%dma_start3A_13 : memref<2000000x64xf32, #tpu.memory_space<hbm>>) target(%arg9 : memref<400x64xf32, #tpu.memory_space<vmem>>) offsets(%dma_start3A_10 : memref<400xi32, #tpu.memory_space<vmem>>) semaphore(%arg12 : memref<!tpu.dma_semaphore, #tpu.memory_space<semaphore_mem>>)
    %scan3A = arith.constant 0 : i32
    %scan3A_14 = arith.constant 0 : i32
    %scan3A_15 = arith.constant 21 : i32
    %scan3A_16 = arith.addi %scan3A_14, %scan3A_15 : i32
    %scan3A_17 = arith.constant 1 : i32
    scf.for %scan3A_55 = %scan3A_14 to %scan3A_16 step %scan3A_17  : i32 {
      %mul3A_56 = arith.constant 3 : i32
      %mul3A_57 = arith.muli %scan3A_55, %mul3A_56 : i32
      %add3A_58 = arith.constant 0 : i32
      %add3A_59 = arith.addi %mul3A_57, %add3A_58 : i32
      %dma_wait3A_60 = arith.constant 0 : i32
      %dma_wait3A_61 = arith.constant 0 : i32
      %dma_wait3A_62 = tpu.memref_slice %arg2[%dma_wait3A_60, %dma_wait3A_61] : memref<2000000x64xf32, #tpu.memory_space<hbm>> -> memref<400x64xf32, #tpu.memory_space<hbm>>
      %dma_wait3A_63 = arith.constant 0 : i32
      %dma_wait3A_64 = arith.constant 0 : i32
      %dma_wait3A_65 = tpu.memref_slice %arg2[%dma_wait3A_63, %dma_wait3A_64] : memref<2000000x64xf32, #tpu.memory_space<hbm>> -> memref<400x64xf32, #tpu.memory_space<hbm>>
      tpu.wait_dma2 semaphore(%arg11 : memref<!tpu.dma_semaphore, #tpu.memory_space<semaphore_mem>>) src(%dma_wait3A_65 : memref<400x64xf32, #tpu.memory_space<hbm>>) dst(%arg8 : memref<400x64xf32, #tpu.memory_space<vmem>>)
      %scan3A_66 = arith.constant 0 : i32
      %scan3A_67 = arith.constant 0 : i32
      %scan3A_68 = arith.constant 200 : i32
      %scan3A_69 = arith.addi %scan3A_67, %scan3A_68 : i32
      %scan3A_70 = arith.constant 2 : i32
      scf.for %scan3A_146 = %scan3A_67 to %scan3A_69 step %scan3A_70  : i32 {
        %get3A = arith.index_cast %scan3A_146 : i32 to index
        %get3A_147 = arith.constant 0 : index
        %get3A_148 = tpu.vector_load %arg7[%get3A, %get3A_147] {strides = array<i32>} : memref<200x64xf32, #tpu.memory_space<vmem>>, vector<1x16xf32>,
        %get3A_149 = vector.shape_cast %get3A_148 : vector<1x16xf32> to vector<16xf32>
        %add3A_150 = arith.constant 0 : i32
        %add3A_151 = arith.addi %add3A_150, %scan3A_146 : i32
        %get3A_152 = arith.index_cast %add3A_151 : i32 to index
        %get3A_153 = arith.constant 0 : index
        %get3A_154 = tpu.vector_load %arg8[%get3A_152, %get3A_153] {strides = array<i32>} : memref<400x64xf32, #tpu.memory_space<vmem>>, vector<1x16xf32>,
        %get3A_155 = vector.shape_cast %get3A_154 : vector<1x16xf32> to vector<16xf32>
        %add3A_156 = arith.addf %get3A_155, %get3A_149 : vector<16xf32>
        %swap3A = arith.index_cast %add3A_151 : i32 to index
        %swap3A_157 = arith.constant 0 : index
        %swap3A_158 = tpu.vector_load %arg8[%swap3A, %swap3A_157] {strides = array<i32>} : memref<400x64xf32, #tpu.memory_space<vmem>>, vector<1x16xf32>,
        %swap3A_159 = vector.shape_cast %swap3A_158 : vector<1x16xf32> to vector<16xf32>
        %swap3A_160 = vector.shape_cast %add3A_156 : vector<16xf32> to vector<1x16xf32>
        tpu.vector_store %arg8[%swap3A, %swap3A_157], %swap3A_160 {strides = array<i32>} : memref<400x64xf32, #tpu.memory_space<vmem>>, vector<1x16xf32>,
        %add3A_161 = arith.constant 200 : i32
        %add3A_162 = arith.addi %add3A_161, %scan3A_146 : i32
        %get3A_163 = arith.index_cast %add3A_162 : i32 to index
        %get3A_164 = arith.constant 0 : index
        %get3A_165 = tpu.vector_load %arg8[%get3A_163, %get3A_164] {strides = array<i32>} : memref<400x64xf32, #tpu.memory_space<vmem>>, vector<1x16xf32>,
        %get3A_166 = vector.shape_cast %get3A_165 : vector<1x16xf32> to vector<16xf32>
        %add3A_167 = arith.addf %get3A_166, %get3A_149 : vector<16xf32>
        %swap3A_168 = arith.index_cast %add3A_162 : i32 to index
        %swap3A_169 = arith.constant 0 : index
        %swap3A_170 = tpu.vector_load %arg8[%swap3A_168, %swap3A_169] {strides = array<i32>} : memref<400x64xf32, #tpu.memory_space<vmem>>, vector<1x16xf32>,
        %swap3A_171 = vector.shape_cast %swap3A_170 : vector<1x16xf32> to vector<16xf32>
        %swap3A_172 = vector.shape_cast %add3A_167 : vector<16xf32> to vector<1x16xf32>
        tpu.vector_store %arg8[%swap3A_168, %swap3A_169], %swap3A_172 {strides = array<i32>} : memref<400x64xf32, #tpu.memory_space<vmem>>, vector<1x16xf32>,
        %get3A_173 = arith.index_cast %scan3A_146 : i32 to index
        %get3A_174 = arith.constant 16 : index
        %get3A_175 = tpu.vector_load %arg7[%get3A_173, %get3A_174] {strides = array<i32>} : memref<200x64xf32, #tpu.memory_space<vmem>>, vector<1x16xf32>,
        %get3A_176 = vector.shape_cast %get3A_175 : vector<1x16xf32> to vector<16xf32>
        %add3A_177 = arith.constant 0 : i32
        %add3A_178 = arith.addi %add3A_177, %scan3A_146 : i32
        %get3A_179 = arith.index_cast %add3A_178 : i32 to index
        %get3A_180 = arith.constant 16 : index
        %get3A_181 = tpu.vector_load %arg8[%get3A_179, %get3A_180] {strides = array<i32>} : memref<400x64xf32, #tpu.memory_space<vmem>>, vector<1x16xf32>,
        %get3A_182 = vector.shape_cast %get3A_181 : vector<1x16xf32> to vector<16xf32>
        %add3A_183 = arith.addf %get3A_182, %get3A_176 : vector<16xf32>
        %swap3A_184 = arith.index_cast %add3A_178 : i32 to index
        %swap3A_185 = arith.constant 16 : index
        %swap3A_186 = tpu.vector_load %arg8[%swap3A_184, %swap3A_185] {strides = array<i32>} : memref<400x64xf32, #tpu.memory_space<vmem>>, vector<1x16xf32>,
        %swap3A_187 = vector.shape_cast %swap3A_186 : vector<1x16xf32> to vector<16xf32>
        %swap3A_188 = vector.shape_cast %add3A_183 : vector<16xf32> to vector<1x16xf32>
        tpu.vector_store %arg8[%swap3A_184, %swap3A_185], %swap3A_188 {strides = array<i32>} : memref<400x64xf32, #tpu.memory_space<vmem>>, vector<1x16xf32>,
        %add3A_189 = arith.constant 200 : i32
        %add3A_190 = arith.addi %add3A_189, %scan3A_146 : i32
        %get3A_191 = arith.index_cast %add3A_190 : i32 to index
        %get3A_192 = arith.constant 16 : index
        %get3A_193 = tpu.vector_load %arg8[%get3A_191, %get3A_192] {strides = array<i32>} : memref<400x64xf32, #tpu.memory_space<vmem>>, vector<1x16xf32>,
        %get3A_194 = vector.shape_cast %get3A_193 : vector<1x16xf32> to vector<16xf32>
        %add3A_195 = arith.addf %get3A_194, %get3A_176 : vector<16xf32>
        %swap3A_196 = arith.index_cast %add3A_190 : i32 to index
        %swap3A_197 = arith.constant 16 : index
        %swap3A_198 = tpu.vector_load %arg8[%swap3A_196, %swap3A_197] {strides = array<i32>} : memref<400x64xf32, #tpu.memory_space<vmem>>, vector<1x16xf32>,
        %swap3A_199 = vector.shape_cast %swap3A_198 : vector<1x16xf32> to vector<16xf32>
        %swap3A_200 = vector.shape_cast %add3A_195 : vector<16xf32> to vector<1x16xf32>
        tpu.vector_store %arg8[%swap3A_196, %swap3A_197], %swap3A_200 {strides = array<i32>} : memref<400x64xf32, #tpu.memory_space<vmem>>, vector<1x16xf32>,
        %get3A_201 = arith.index_cast %scan3A_146 : i32 to index
        %get3A_202 = arith.constant 32 : index
        %get3A_203 = tpu.vector_load %arg7[%get3A_201, %get3A_202] {strides = array<i32>} : memref<200x64xf32, #tpu.memory_space<vmem>>, vector<1x16xf32>,
        %get3A_204 = vector.shape_cast %get3A_203 : vector<1x16xf32> to vector<16xf32>
        %add3A_205 = arith.constant 0 : i32
        %add3A_206 = arith.addi %add3A_205, %scan3A_146 : i32
        %get3A_207 = arith.index_cast %add3A_206 : i32 to index
        %get3A_208 = arith.constant 32 : index
        %get3A_209 = tpu.vector_load %arg8[%get3A_207, %get3A_208] {strides = array<i32>} : memref<400x64xf32, #tpu.memory_space<vmem>>, vector<1x16xf32>,
        %get3A_210 = vector.shape_cast %get3A_209 : vector<1x16xf32> to vector<16xf32>
        %add3A_211 = arith.addf %get3A_210, %get3A_204 : vector<16xf32>
        %swap3A_212 = arith.index_cast %add3A_206 : i32 to index
        %swap3A_213 = arith.constant 32 : index
        %swap3A_214 = tpu.vector_load %arg8[%swap3A_212, %swap3A_213] {strides = array<i32>} : memref<400x64xf32, #tpu.memory_space<vmem>>, vector<1x16xf32>,
        %swap3A_215 = vector.shape_cast %swap3A_214 : vector<1x16xf32> to vector<16xf32>
        %swap3A_216 = vector.shape_cast %add3A_211 : vector<16xf32> to vector<1x16xf32>
        tpu.vector_store %arg8[%swap3A_212, %swap3A_213], %swap3A_216 {strides = array<i32>} : memref<400x64xf32, #tpu.memory_space<vmem>>, vector<1x16xf32>,
        %add3A_217 = arith.constant 200 : i32
        %add3A_218 = arith.addi %add3A_217, %scan3A_146 : i32
        %get3A_219 = arith.index_cast %add3A_218 : i32 to index
        %get3A_220 = arith.constant 32 : index
        %get3A_221 = tpu.vector_load %arg8[%get3A_219, %get3A_220] {strides = array<i32>} : memref<400x64xf32, #tpu.memory_space<vmem>>, vector<1x16xf32>,
        %get3A_222 = vector.shape_cast %get3A_221 : vector<1x16xf32> to vector<16xf32>
        %add3A_223 = arith.addf %get3A_222, %get3A_204 : vector<16xf32>
        %swap3A_224 = arith.index_cast %add3A_218 : i32 to index
        %swap3A_225 = arith.constant 32 : index
        %swap3A_226 = tpu.vector_load %arg8[%swap3A_224, %swap3A_225] {strides = array<i32>} : memref<400x64xf32, #tpu.memory_space<vmem>>, vector<1x16xf32>,
        %swap3A_227 = vector.shape_cast %swap3A_226 : vector<1x16xf32> to vector<16xf32>
        %swap3A_228 = vector.shape_cast %add3A_223 : vector<16xf32> to vector<1x16xf32>
        tpu.vector_store %arg8[%swap3A_224, %swap3A_225], %swap3A_228 {strides = array<i32>} : memref<400x64xf32, #tpu.memory_space<vmem>>, vector<1x16xf32>,
        %get3A_229 = arith.index_cast %scan3A_146 : i32 to index
        %get3A_230 = arith.constant 48 : index
        %get3A_231 = tpu.vector_load %arg7[%get3A_229, %get3A_230] {strides = array<i32>} : memref<200x64xf32, #tpu.memory_space<vmem>>, vector<1x16xf32>,
        %get3A_232 = vector.shape_cast %get3A_231 : vector<1x16xf32> to vector<16xf32>
        %add3A_233 = arith.constant 0 : i32
        %add3A_234 = arith.addi %add3A_233, %scan3A_146 : i32
        %get3A_235 = arith.index_cast %add3A_234 : i32 to index
        %get3A_236 = arith.constant 48 : index
        %get3A_237 = tpu.vector_load %arg8[%get3A_235, %get3A_236] {strides = array<i32>} : memref<400x64xf32, #tpu.memory_space<vmem>>, vector<1x16xf32>,
        %get3A_238 = vector.shape_cast %get3A_237 : vector<1x16xf32> to vector<16xf32>
        %add3A_239 = arith.addf %get3A_238, %get3A_232 : vector<16xf32>
        %swap3A_240 = arith.index_cast %add3A_234 : i32 to index
        %swap3A_241 = arith.constant 48 : index
        %swap3A_242 = tpu.vector_load %arg8[%swap3A_240, %swap3A_241] {strides = array<i32>} : memref<400x64xf32, #tpu.memory_space<vmem>>, vector<1x16xf32>,
        %swap3A_243 = vector.shape_cast %swap3A_242 : vector<1x16xf32> to vector<16xf32>
        %swap3A_244 = vector.shape_cast %add3A_239 : vector<16xf32> to vector<1x16xf32>
        tpu.vector_store %arg8[%swap3A_240, %swap3A_241], %swap3A_244 {strides = array<i32>} : memref<400x64xf32, #tpu.memory_space<vmem>>, vector<1x16xf32>,
        %add3A_245 = arith.constant 200 : i32
        %add3A_246 = arith.addi %add3A_245, %scan3A_146 : i32
        %get3A_247 = arith.index_cast %add3A_246 : i32 to index
        %get3A_248 = arith.constant 48 : index
        %get3A_249 = tpu.vector_load %arg8[%get3A_247, %get3A_248] {strides = array<i32>} : memref<400x64xf32, #tpu.memory_space<vmem>>, vector<1x16xf32>,
        %get3A_250 = vector.shape_cast %get3A_249 : vector<1x16xf32> to vector<16xf32>
        %add3A_251 = arith.addf %get3A_250, %get3A_232 : vector<16xf32>
        %swap3A_252 = arith.index_cast %add3A_246 : i32 to index
        %swap3A_253 = arith.constant 48 : index
        %swap3A_254 = tpu.vector_load %arg8[%swap3A_252, %swap3A_253] {strides = array<i32>} : memref<400x64xf32, #tpu.memory_space<vmem>>, vector<1x16xf32>,
        %swap3A_255 = vector.shape_cast %swap3A_254 : vector<1x16xf32> to vector<16xf32>
        %swap3A_256 = vector.shape_cast %add3A_251 : vector<16xf32> to vector<1x16xf32>
        tpu.vector_store %arg8[%swap3A_252, %swap3A_253], %swap3A_256 {strides = array<i32>} : memref<400x64xf32, #tpu.memory_space<vmem>>, vector<1x16xf32>,
        %scan3A_257 = arith.constant 1 : i32
        %scan3A_258 = arith.addi %scan3A_146, %scan3A_257 : i32
        %get3A_259 = arith.index_cast %scan3A_258 : i32 to index
        %get3A_260 = arith.constant 0 : index
        %get3A_261 = tpu.vector_load %arg7[%get3A_259, %get3A_260] {strides = array<i32>} : memref<200x64xf32, #tpu.memory_space<vmem>>, vector<1x16xf32>,
        %get3A_262 = vector.shape_cast %get3A_261 : vector<1x16xf32> to vector<16xf32>
        %add3A_263 = arith.constant 0 : i32
        %add3A_264 = arith.addi %add3A_263, %scan3A_258 : i32
        %get3A_265 = arith.index_cast %add3A_264 : i32 to index
        %get3A_266 = arith.constant 0 : index
        %get3A_267 = tpu.vector_load %arg8[%get3A_265, %get3A_266] {strides = array<i32>} : memref<400x64xf32, #tpu.memory_space<vmem>>, vector<1x16xf32>,
        %get3A_268 = vector.shape_cast %get3A_267 : vector<1x16xf32> to vector<16xf32>
        %add3A_269 = arith.addf %get3A_268, %get3A_262 : vector<16xf32>
        %swap3A_270 = arith.index_cast %add3A_264 : i32 to index
        %swap3A_271 = arith.constant 0 : index
        %swap3A_272 = tpu.vector_load %arg8[%swap3A_270, %swap3A_271] {strides = array<i32>} : memref<400x64xf32, #tpu.memory_space<vmem>>, vector<1x16xf32>,
        %swap3A_273 = vector.shape_cast %swap3A_272 : vector<1x16xf32> to vector<16xf32>
        %swap3A_274 = vector.shape_cast %add3A_269 : vector<16xf32> to vector<1x16xf32>
        tpu.vector_store %arg8[%swap3A_270, %swap3A_271], %swap3A_274 {strides = array<i32>} : memref<400x64xf32, #tpu.memory_space<vmem>>, vector<1x16xf32>,
        %add3A_275 = arith.constant 200 : i32
        %add3A_276 = arith.addi %add3A_275, %scan3A_258 : i32
        %get3A_277 = arith.index_cast %add3A_276 : i32 to index
        %get3A_278 = arith.constant 0 : index
        %get3A_279 = tpu.vector_load %arg8[%get3A_277, %get3A_278] {strides = array<i32>} : memref<400x64xf32, #tpu.memory_space<vmem>>, vector<1x16xf32>,
        %get3A_280 = vector.shape_cast %get3A_279 : vector<1x16xf32> to vector<16xf32>
        %add3A_281 = arith.addf %get3A_280, %get3A_262 : vector<16xf32>
        %swap3A_282 = arith.index_cast %add3A_276 : i32 to index
        %swap3A_283 = arith.constant 0 : index
        %swap3A_284 = tpu.vector_load %arg8[%swap3A_282, %swap3A_283] {strides = array<i32>} : memref<400x64xf32, #tpu.memory_space<vmem>>, vector<1x16xf32>,
        %swap3A_285 = vector.shape_cast %swap3A_284 : vector<1x16xf32> to vector<16xf32>
        %swap3A_286 = vector.shape_cast %add3A_281 : vector<16xf32> to vector<1x16xf32>
        tpu.vector_store %arg8[%swap3A_282, %swap3A_283], %swap3A_286 {strides = array<i32>} : memref<400x64xf32, #tpu.memory_space<vmem>>, vector<1x16xf32>,
        %get3A_287 = arith.index_cast %scan3A_258 : i32 to index
        %get3A_288 = arith.constant 16 : index
        %get3A_289 = tpu.vector_load %arg7[%get3A_287, %get3A_288] {strides = array<i32>} : memref<200x64xf32, #tpu.memory_space<vmem>>, vector<1x16xf32>,
        %get3A_290 = vector.shape_cast %get3A_289 : vector<1x16xf32> to vector<16xf32>
        %add3A_291 = arith.constant 0 : i32
        %add3A_292 = arith.addi %add3A_291, %scan3A_258 : i32
        %get3A_293 = arith.index_cast %add3A_292 : i32 to index
        %get3A_294 = arith.constant 16 : index
        %get3A_295 = tpu.vector_load %arg8[%get3A_293, %get3A_294] {strides = array<i32>} : memref<400x64xf32, #tpu.memory_space<vmem>>, vector<1x16xf32>,
        %get3A_296 = vector.shape_cast %get3A_295 : vector<1x16xf32> to vector<16xf32>
        %add3A_297 = arith.addf %get3A_296, %get3A_290 : vector<16xf32>
        %swap3A_298 = arith.index_cast %add3A_292 : i32 to index
        %swap3A_299 = arith.constant 16 : index
        %swap3A_300 = tpu.vector_load %arg8[%swap3A_298, %swap3A_299] {strides = array<i32>} : memref<400x64xf32, #tpu.memory_space<vmem>>, vector<1x16xf32>,
        %swap3A_301 = vector.shape_cast %swap3A_300 : vector<1x16xf32> to vector<16xf32>
        %swap3A_302 = vector.shape_cast %add3A_297 : vector<16xf32> to vector<1x16xf32>
        tpu.vector_store %arg8[%swap3A_298, %swap3A_299], %swap3A_302 {strides = array<i32>} : memref<400x64xf32, #tpu.memory_space<vmem>>, vector<1x16xf32>,
        %add3A_303 = arith.constant 200 : i32
        %add3A_304 = arith.addi %add3A_303, %scan3A_258 : i32
        %get3A_305 = arith.index_cast %add3A_304 : i32 to index
        %get3A_306 = arith.constant 16 : index
        %get3A_307 = tpu.vector_load %arg8[%get3A_305, %get3A_306] {strides = array<i32>} : memref<400x64xf32, #tpu.memory_space<vmem>>, vector<1x16xf32>,
        %get3A_308 = vector.shape_cast %get3A_307 : vector<1x16xf32> to vector<16xf32>
        %add3A_309 = arith.addf %get3A_308, %get3A_290 : vector<16xf32>
        %swap3A_310 = arith.index_cast %add3A_304 : i32 to index
        %swap3A_311 = arith.constant 16 : index
        %swap3A_312 = tpu.vector_load %arg8[%swap3A_310, %swap3A_311] {strides = array<i32>} : memref<400x64xf32, #tpu.memory_space<vmem>>, vector<1x16xf32>,
        %swap3A_313 = vector.shape_cast %swap3A_312 : vector<1x16xf32> to vector<16xf32>
        %swap3A_314 = vector.shape_cast %add3A_309 : vector<16xf32> to vector<1x16xf32>
        tpu.vector_store %arg8[%swap3A_310, %swap3A_311], %swap3A_314 {strides = array<i32>} : memref<400x64xf32, #tpu.memory_space<vmem>>, vector<1x16xf32>,
        %get3A_315 = arith.index_cast %scan3A_258 : i32 to index
        %get3A_316 = arith.constant 32 : index
        %get3A_317 = tpu.vector_load %arg7[%get3A_315, %get3A_316] {strides = array<i32>} : memref<200x64xf32, #tpu.memory_space<vmem>>, vector<1x16xf32>,
        %get3A_318 = vector.shape_cast %get3A_317 : vector<1x16xf32> to vector<16xf32>
        %add3A_319 = arith.constant 0 : i32
        %add3A_320 = arith.addi %add3A_319, %scan3A_258 : i32
        %get3A_321 = arith.index_cast %add3A_320 : i32 to index
        %get3A_322 = arith.constant 32 : index
        %get3A_323 = tpu.vector_load %arg8[%get3A_321, %get3A_322] {strides = array<i32>} : memref<400x64xf32, #tpu.memory_space<vmem>>, vector<1x16xf32>,
        %get3A_324 = vector.shape_cast %get3A_323 : vector<1x16xf32> to vector<16xf32>
        %add3A_325 = arith.addf %get3A_324, %get3A_318 : vector<16xf32>
        %swap3A_326 = arith.index_cast %add3A_320 : i32 to index
        %swap3A_327 = arith.constant 32 : index
        %swap3A_328 = tpu.vector_load %arg8[%swap3A_326, %swap3A_327] {strides = array<i32>} : memref<400x64xf32, #tpu.memory_space<vmem>>, vector<1x16xf32>,
        %swap3A_329 = vector.shape_cast %swap3A_328 : vector<1x16xf32> to vector<16xf32>
        %swap3A_330 = vector.shape_cast %add3A_325 : vector<16xf32> to vector<1x16xf32>
        tpu.vector_store %arg8[%swap3A_326, %swap3A_327], %swap3A_330 {strides = array<i32>} : memref<400x64xf32, #tpu.memory_space<vmem>>, vector<1x16xf32>,
        %add3A_331 = arith.constant 200 : i32
        %add3A_332 = arith.addi %add3A_331, %scan3A_258 : i32
        %get3A_333 = arith.index_cast %add3A_332 : i32 to index
        %get3A_334 = arith.constant 32 : index
        %get3A_335 = tpu.vector_load %arg8[%get3A_333, %get3A_334] {strides = array<i32>} : memref<400x64xf32, #tpu.memory_space<vmem>>, vector<1x16xf32>,
        %get3A_336 = vector.shape_cast %get3A_335 : vector<1x16xf32> to vector<16xf32>
        %add3A_337 = arith.addf %get3A_336, %get3A_318 : vector<16xf32>
        %swap3A_338 = arith.index_cast %add3A_332 : i32 to index
        %swap3A_339 = arith.constant 32 : index
        %swap3A_340 = tpu.vector_load %arg8[%swap3A_338, %swap3A_339] {strides = array<i32>} : memref<400x64xf32, #tpu.memory_space<vmem>>, vector<1x16xf32>,
        %swap3A_341 = vector.shape_cast %swap3A_340 : vector<1x16xf32> to vector<16xf32>
        %swap3A_342 = vector.shape_cast %add3A_337 : vector<16xf32> to vector<1x16xf32>
        tpu.vector_store %arg8[%swap3A_338, %swap3A_339], %swap3A_342 {strides = array<i32>} : memref<400x64xf32, #tpu.memory_space<vmem>>, vector<1x16xf32>,
        %get3A_343 = arith.index_cast %scan3A_258 : i32 to index
        %get3A_344 = arith.constant 48 : index
        %get3A_345 = tpu.vector_load %arg7[%get3A_343, %get3A_344] {strides = array<i32>} : memref<200x64xf32, #tpu.memory_space<vmem>>, vector<1x16xf32>,
        %get3A_346 = vector.shape_cast %get3A_345 : vector<1x16xf32> to vector<16xf32>
        %add3A_347 = arith.constant 0 : i32
        %add3A_348 = arith.addi %add3A_347, %scan3A_258 : i32
        %get3A_349 = arith.index_cast %add3A_348 : i32 to index
        %get3A_350 = arith.constant 48 : index
        %get3A_351 = tpu.vector_load %arg8[%get3A_349, %get3A_350] {strides = array<i32>} : memref<400x64xf32, #tpu.memory_space<vmem>>, vector<1x16xf32>,
        %get3A_352 = vector.shape_cast %get3A_351 : vector<1x16xf32> to vector<16xf32>
        %add3A_353 = arith.addf %get3A_352, %get3A_346 : vector<16xf32>
        %swap3A_354 = arith.index_cast %add3A_348 : i32 to index
        %swap3A_355 = arith.constant 48 : index
        %swap3A_356 = tpu.vector_load %arg8[%swap3A_354, %swap3A_355] {strides = array<i32>} : memref<400x64xf32, #tpu.memory_space<vmem>>, vector<1x16xf32>,
        %swap3A_357 = vector.shape_cast %swap3A_356 : vector<1x16xf32> to vector<16xf32>
        %swap3A_358 = vector.shape_cast %add3A_353 : vector<16xf32> to vector<1x16xf32>
        tpu.vector_store %arg8[%swap3A_354, %swap3A_355], %swap3A_358 {strides = array<i32>} : memref<400x64xf32, #tpu.memory_space<vmem>>, vector<1x16xf32>,
        %add3A_359 = arith.constant 200 : i32
        %add3A_360 = arith.addi %add3A_359, %scan3A_258 : i32
        %get3A_361 = arith.index_cast %add3A_360 : i32 to index
        %get3A_362 = arith.constant 48 : index
        %get3A_363 = tpu.vector_load %arg8[%get3A_361, %get3A_362] {strides = array<i32>} : memref<400x64xf32, #tpu.memory_space<vmem>>, vector<1x16xf32>,
        %get3A_364 = vector.shape_cast %get3A_363 : vector<1x16xf32> to vector<16xf32>
        %add3A_365 = arith.addf %get3A_364, %get3A_346 : vector<16xf32>
        %swap3A_366 = arith.index_cast %add3A_360 : i32 to index
        %swap3A_367 = arith.constant 48 : index
        %swap3A_368 = tpu.vector_load %arg8[%swap3A_366, %swap3A_367] {strides = array<i32>} : memref<400x64xf32, #tpu.memory_space<vmem>>, vector<1x16xf32>,
        %swap3A_369 = vector.shape_cast %swap3A_368 : vector<1x16xf32> to vector<16xf32>
        %swap3A_370 = vector.shape_cast %add3A_365 : vector<16xf32> to vector<1x16xf32>
        tpu.vector_store %arg8[%swap3A_366, %swap3A_367], %swap3A_370 {strides = array<i32>} : memref<400x64xf32, #tpu.memory_space<vmem>>, vector<1x16xf32>,
      }
      %scan3A_71 = arith.constant 200 : i32
      %mul3A_72 = arith.constant 400 : i32
      %mul3A_73 = arith.muli %add3A_59, %mul3A_72 : i32
      %add3A_74 = arith.addi %multiple_of3A, %mul3A_73 : i32
      %multiple_of3A_75 = tpu.assume_multiple %add3A_74, 400 : i32
      %dma_start3A_76 = arith.constant 0 : i32
      %dma_start3A_77 = tpu.memref_slice %arg5[%multiple_of3A_75, %dma_start3A_76] : memref<819200x128xf32, #tpu.memory_space<hbm>> -> memref<400x64xf32, #tpu.memory_space<hbm>>
      %dma_start3A_78 = arith.constant 0 : i32
      %dma_start3A_79 = tpu.memref_slice %arg5[%multiple_of3A_75, %dma_start3A_78] : memref<819200x128xf32, #tpu.memory_space<hbm>> -> memref<400x64xf32, #tpu.memory_space<hbm>>
      tpu.enqueue_dma source(%arg8 : memref<400x64xf32, #tpu.memory_space<vmem>>) target(%dma_start3A_79 : memref<400x64xf32, #tpu.memory_space<hbm>>) target_semaphore(%arg14 : memref<!tpu.dma_semaphore, #tpu.memory_space<semaphore_mem>>)
      %add3A_80 = arith.constant 2 : i32
      %add3A_81 = arith.addi %add3A_59, %add3A_80 : i32
      %lt3A = arith.constant 64 : i32
      %lt3A_82 = arith.cmpi slt, %add3A_81, %lt3A : i32
      %convert_element_type3A = arith.extui %lt3A_82 : i1 to i32
      %cond3A = arith.constant 0 : i32
      %cond3A_83 = arith.cmpi ne, %convert_element_type3A, %cond3A : i32
      scf.if %cond3A_83 {
        %ge3A = arith.constant 1 : i32
        %ge3A_146 = arith.cmpi sge, %add3A_59, %ge3A : i32
        %convert_element_type3A_147 = arith.extui %ge3A_146 : i1 to i32
        %cond3A_148 = arith.constant 0 : i32
        %cond3A_149 = arith.cmpi ne, %convert_element_type3A_147, %cond3A_148 : i32
        scf.if %cond3A_149 {
          %dma_wait3A_159 = arith.constant 0 : i32
          %dma_wait3A_160 = arith.constant 0 : i32
          %dma_wait3A_161 = tpu.memref_slice %arg5[%dma_wait3A_159, %dma_wait3A_160] : memref<819200x128xf32, #tpu.memory_space<hbm>> -> memref<400x64xf32, #tpu.memory_space<hbm>>
          %dma_wait3A_162 = arith.constant 0 : i32
          %dma_wait3A_163 = arith.constant 0 : i32
          %dma_wait3A_164 = tpu.memref_slice %arg5[%dma_wait3A_162, %dma_wait3A_163] : memref<819200x128xf32, #tpu.memory_space<hbm>> -> memref<400x64xf32, #tpu.memory_space<hbm>>
          tpu.wait_dma2 semaphore(%arg16 : memref<!tpu.dma_semaphore, #tpu.memory_space<semaphore_mem>>) src(%arg10 : memref<400x64xf32, #tpu.memory_space<vmem>>) dst(%dma_wait3A_164 : memref<400x64xf32, #tpu.memory_space<hbm>>)
        } else {
        }
        %add3A_150 = arith.constant 2 : i32
        %add3A_151 = arith.addi %add3A_59, %add3A_150 : i32
        %mul3A_152 = arith.constant 400 : i32
        %mul3A_153 = arith.muli %add3A_151, %mul3A_152 : i32
        %multiple_of3A_154 = tpu.assume_multiple %mul3A_153, 8 : i32
        %dma_start3A_155 = tpu.memref_slice %arg6[%multiple_of3A_154] : memref<25600xi32, #tpu.memory_space<vmem>> -> memref<400xi32, #tpu.memory_space<vmem>>
        %dma_start3A_156 = arith.constant 0 : i32
        %dma_start3A_157 = arith.constant 0 : i32
        %dma_start3A_158 = tpu.memref_slice %arg2[%dma_start3A_156, %dma_start3A_157] : memref<2000000x64xf32, #tpu.memory_space<hbm>> -> memref<2000000x64xf32, #tpu.memory_space<hbm>>
        tpu.enqueue_indirect_dma source(%dma_start3A_158 : memref<2000000x64xf32, #tpu.memory_space<hbm>>) target(%arg10 : memref<400x64xf32, #tpu.memory_space<vmem>>) offsets(%dma_start3A_155 : memref<400xi32, #tpu.memory_space<vmem>>) semaphore(%arg13 : memref<!tpu.dma_semaphore, #tpu.memory_space<semaphore_mem>>)
      } else {
      }
      %mul3A_84 = arith.constant 3 : i32
      %mul3A_85 = arith.muli %scan3A_55, %mul3A_84 : i32
      %add3A_86 = arith.constant 1 : i32
      %add3A_87 = arith.addi %mul3A_85, %add3A_86 : i32
      %dma_wait3A_88 = arith.constant 0 : i32
      %dma_wait3A_89 = arith.constant 0 : i32
      %dma_wait3A_90 = tpu.memref_slice %arg2[%dma_wait3A_88, %dma_wait3A_89] : memref<2000000x64xf32, #tpu.memory_space<hbm>> -> memref<400x64xf32, #tpu.memory_space<hbm>>
      %dma_wait3A_91 = arith.constant 0 : i32
      %dma_wait3A_92 = arith.constant 0 : i32
      %dma_wait3A_93 = tpu.memref_slice %arg2[%dma_wait3A_91, %dma_wait3A_92] : memref<2000000x64xf32, #tpu.memory_space<hbm>> -> memref<400x64xf32, #tpu.memory_space<hbm>>
      tpu.wait_dma2 semaphore(%arg12 : memref<!tpu.dma_semaphore, #tpu.memory_space<semaphore_mem>>) src(%dma_wait3A_93 : memref<400x64xf32, #tpu.memory_space<hbm>>) dst(%arg9 : memref<400x64xf32, #tpu.memory_space<vmem>>)
      %scan3A_94 = arith.constant 0 : i32
      %scan3A_95 = arith.constant 0 : i32
      %scan3A_96 = arith.constant 200 : i32
      %scan3A_97 = arith.addi %scan3A_95, %scan3A_96 : i32
      %scan3A_98 = arith.constant 2 : i32
      scf.for %scan3A_146 = %scan3A_95 to %scan3A_97 step %scan3A_98  : i32 {
        %get3A = arith.index_cast %scan3A_146 : i32 to index
        %get3A_147 = arith.constant 0 : index
        %get3A_148 = tpu.vector_load %arg7[%get3A, %get3A_147] {strides = array<i32>} : memref<200x64xf32, #tpu.memory_space<vmem>>, vector<1x16xf32>,
        %get3A_149 = vector.shape_cast %get3A_148 : vector<1x16xf32> to vector<16xf32>
        %add3A_150 = arith.constant 0 : i32
        %add3A_151 = arith.addi %add3A_150, %scan3A_146 : i32
        %get3A_152 = arith.index_cast %add3A_151 : i32 to index
        %get3A_153 = arith.constant 0 : index
        %get3A_154 = tpu.vector_load %arg9[%get3A_152, %get3A_153] {strides = array<i32>} : memref<400x64xf32, #tpu.memory_space<vmem>>, vector<1x16xf32>,
        %get3A_155 = vector.shape_cast %get3A_154 : vector<1x16xf32> to vector<16xf32>
        %add3A_156 = arith.addf %get3A_155, %get3A_149 : vector<16xf32>
        %swap3A = arith.index_cast %add3A_151 : i32 to index
        %swap3A_157 = arith.constant 0 : index
        %swap3A_158 = tpu.vector_load %arg9[%swap3A, %swap3A_157] {strides = array<i32>} : memref<400x64xf32, #tpu.memory_space<vmem>>, vector<1x16xf32>,
        %swap3A_159 = vector.shape_cast %swap3A_158 : vector<1x16xf32> to vector<16xf32>
        %swap3A_160 = vector.shape_cast %add3A_156 : vector<16xf32> to vector<1x16xf32>
        tpu.vector_store %arg9[%swap3A, %swap3A_157], %swap3A_160 {strides = array<i32>} : memref<400x64xf32, #tpu.memory_space<vmem>>, vector<1x16xf32>,
        %add3A_161 = arith.constant 200 : i32
        %add3A_162 = arith.addi %add3A_161, %scan3A_146 : i32
        %get3A_163 = arith.index_cast %add3A_162 : i32 to index
        %get3A_164 = arith.constant 0 : index
        %get3A_165 = tpu.vector_load %arg9[%get3A_163, %get3A_164] {strides = array<i32>} : memref<400x64xf32, #tpu.memory_space<vmem>>, vector<1x16xf32>,
        %get3A_166 = vector.shape_cast %get3A_165 : vector<1x16xf32> to vector<16xf32>
        %add3A_167 = arith.addf %get3A_166, %get3A_149 : vector<16xf32>
        %swap3A_168 = arith.index_cast %add3A_162 : i32 to index
        %swap3A_169 = arith.constant 0 : index
        %swap3A_170 = tpu.vector_load %arg9[%swap3A_168, %swap3A_169] {strides = array<i32>} : memref<400x64xf32, #tpu.memory_space<vmem>>, vector<1x16xf32>,
        %swap3A_171 = vector.shape_cast %swap3A_170 : vector<1x16xf32> to vector<16xf32>
        %swap3A_172 = vector.shape_cast %add3A_167 : vector<16xf32> to vector<1x16xf32>
        tpu.vector_store %arg9[%swap3A_168, %swap3A_169], %swap3A_172 {strides = array<i32>} : memref<400x64xf32, #tpu.memory_space<vmem>>, vector<1x16xf32>,
        %get3A_173 = arith.index_cast %scan3A_146 : i32 to index
        %get3A_174 = arith.constant 16 : index
        %get3A_175 = tpu.vector_load %arg7[%get3A_173, %get3A_174] {strides = array<i32>} : memref<200x64xf32, #tpu.memory_space<vmem>>, vector<1x16xf32>,
        %get3A_176 = vector.shape_cast %get3A_175 : vector<1x16xf32> to vector<16xf32>
        %add3A_177 = arith.constant 0 : i32
        %add3A_178 = arith.addi %add3A_177, %scan3A_146 : i32
        %get3A_179 = arith.index_cast %add3A_178 : i32 to index
        %get3A_180 = arith.constant 16 : index
        %get3A_181 = tpu.vector_load %arg9[%get3A_179, %get3A_180] {strides = array<i32>} : memref<400x64xf32, #tpu.memory_space<vmem>>, vector<1x16xf32>,
        %get3A_182 = vector.shape_cast %get3A_181 : vector<1x16xf32> to vector<16xf32>
        %add3A_183 = arith.addf %get3A_182, %get3A_176 : vector<16xf32>
        %swap3A_184 = arith.index_cast %add3A_178 : i32 to index
        %swap3A_185 = arith.constant 16 : index
        %swap3A_186 = tpu.vector_load %arg9[%swap3A_184, %swap3A_185] {strides = array<i32>} : memref<400x64xf32, #tpu.memory_space<vmem>>, vector<1x16xf32>,
        %swap3A_187 = vector.shape_cast %swap3A_186 : vector<1x16xf32> to vector<16xf32>
        %swap3A_188 = vector.shape_cast %add3A_183 : vector<16xf32> to vector<1x16xf32>
        tpu.vector_store %arg9[%swap3A_184, %swap3A_185], %swap3A_188 {strides = array<i32>} : memref<400x64xf32, #tpu.memory_space<vmem>>, vector<1x16xf32>,
        %add3A_189 = arith.constant 200 : i32
        %add3A_190 = arith.addi %add3A_189, %scan3A_146 : i32
        %get3A_191 = arith.index_cast %add3A_190 : i32 to index
        %get3A_192 = arith.constant 16 : index
        %get3A_193 = tpu.vector_load %arg9[%get3A_191, %get3A_192] {strides = array<i32>} : memref<400x64xf32, #tpu.memory_space<vmem>>, vector<1x16xf32>,
        %get3A_194 = vector.shape_cast %get3A_193 : vector<1x16xf32> to vector<16xf32>
        %add3A_195 = arith.addf %get3A_194, %get3A_176 : vector<16xf32>
        %swap3A_196 = arith.index_cast %add3A_190 : i32 to index
        %swap3A_197 = arith.constant 16 : index
        %swap3A_198 = tpu.vector_load %arg9[%swap3A_196, %swap3A_197] {strides = array<i32>} : memref<400x64xf32, #tpu.memory_space<vmem>>, vector<1x16xf32>,
        %swap3A_199 = vector.shape_cast %swap3A_198 : vector<1x16xf32> to vector<16xf32>
        %swap3A_200 = vector.shape_cast %add3A_195 : vector<16xf32> to vector<1x16xf32>
        tpu.vector_store %arg9[%swap3A_196, %swap3A_197], %swap3A_200 {strides = array<i32>} : memref<400x64xf32, #tpu.memory_space<vmem>>, vector<1x16xf32>,
        %get3A_201 = arith.index_cast %scan3A_146 : i32 to index
        %get3A_202 = arith.constant 32 : index
        %get3A_203 = tpu.vector_load %arg7[%get3A_201, %get3A_202] {strides = array<i32>} : memref<200x64xf32, #tpu.memory_space<vmem>>, vector<1x16xf32>,
        %get3A_204 = vector.shape_cast %get3A_203 : vector<1x16xf32> to vector<16xf32>
        %add3A_205 = arith.constant 0 : i32
        %add3A_206 = arith.addi %add3A_205, %scan3A_146 : i32
        %get3A_207 = arith.index_cast %add3A_206 : i32 to index
        %get3A_208 = arith.constant 32 : index
        %get3A_209 = tpu.vector_load %arg9[%get3A_207, %get3A_208] {strides = array<i32>} : memref<400x64xf32, #tpu.memory_space<vmem>>, vector<1x16xf32>,
        %get3A_210 = vector.shape_cast %get3A_209 : vector<1x16xf32> to vector<16xf32>
        %add3A_211 = arith.addf %get3A_210, %get3A_204 : vector<16xf32>
        %swap3A_212 = arith.index_cast %add3A_206 : i32 to index
        %swap3A_213 = arith.constant 32 : index
        %swap3A_214 = tpu.vector_load %arg9[%swap3A_212, %swap3A_213] {strides = array<i32>} : memref<400x64xf32, #tpu.memory_space<vmem>>, vector<1x16xf32>,
        %swap3A_215 = vector.shape_cast %swap3A_214 : vector<1x16xf32> to vector<16xf32>
        %swap3A_216 = vector.shape_cast %add3A_211 : vector<16xf32> to vector<1x16xf32>
        tpu.vector_store %arg9[%swap3A_212, %swap3A_213], %swap3A_216 {strides = array<i32>} : memref<400x64xf32, #tpu.memory_space<vmem>>, vector<1x16xf32>,
        %add3A_217 = arith.constant 200 : i32
        %add3A_218 = arith.addi %add3A_217, %scan3A_146 : i32
        %get3A_219 = arith.index_cast %add3A_218 : i32 to index
        %get3A_220 = arith.constant 32 : index
        %get3A_221 = tpu.vector_load %arg9[%get3A_219, %get3A_220] {strides = array<i32>} : memref<400x64xf32, #tpu.memory_space<vmem>>, vector<1x16xf32>,
        %get3A_222 = vector.shape_cast %get3A_221 : vector<1x16xf32> to vector<16xf32>
        %add3A_223 = arith.addf %get3A_222, %get3A_204 : vector<16xf32>
        %swap3A_224 = arith.index_cast %add3A_218 : i32 to index
        %swap3A_225 = arith.constant 32 : index
        %swap3A_226 = tpu.vector_load %arg9[%swap3A_224, %swap3A_225] {strides = array<i32>} : memref<400x64xf32, #tpu.memory_space<vmem>>, vector<1x16xf32>,
        %swap3A_227 = vector.shape_cast %swap3A_226 : vector<1x16xf32> to vector<16xf32>
        %swap3A_228 = vector.shape_cast %add3A_223 : vector<16xf32> to vector<1x16xf32>
        tpu.vector_store %arg9[%swap3A_224, %swap3A_225], %swap3A_228 {strides = array<i32>} : memref<400x64xf32, #tpu.memory_space<vmem>>, vector<1x16xf32>,
        %get3A_229 = arith.index_cast %scan3A_146 : i32 to index
        %get3A_230 = arith.constant 48 : index
        %get3A_231 = tpu.vector_load %arg7[%get3A_229, %get3A_230] {strides = array<i32>} : memref<200x64xf32, #tpu.memory_space<vmem>>, vector<1x16xf32>,
        %get3A_232 = vector.shape_cast %get3A_231 : vector<1x16xf32> to vector<16xf32>
        %add3A_233 = arith.constant 0 : i32
        %add3A_234 = arith.addi %add3A_233, %scan3A_146 : i32
        %get3A_235 = arith.index_cast %add3A_234 : i32 to index
        %get3A_236 = arith.constant 48 : index
        %get3A_237 = tpu.vector_load %arg9[%get3A_235, %get3A_236] {strides = array<i32>} : memref<400x64xf32, #tpu.memory_space<vmem>>, vector<1x16xf32>,
        %get3A_238 = vector.shape_cast %get3A_237 : vector<1x16xf32> to vector<16xf32>
        %add3A_239 = arith.addf %get3A_238, %get3A_232 : vector<16xf32>
        %swap3A_240 = arith.index_cast %add3A_234 : i32 to index
        %swap3A_241 = arith.constant 48 : index
        %swap3A_242 = tpu.vector_load %arg9[%swap3A_240, %swap3A_241] {strides = array<i32>} : memref<400x64xf32, #tpu.memory_space<vmem>>, vector<1x16xf32>,
        %swap3A_243 = vector.shape_cast %swap3A_242 : vector<1x16xf32> to vector<16xf32>
        %swap3A_244 = vector.shape_cast %add3A_239 : vector<16xf32> to vector<1x16xf32>
        tpu.vector_store %arg9[%swap3A_240, %swap3A_241], %swap3A_244 {strides = array<i32>} : memref<400x64xf32, #tpu.memory_space<vmem>>, vector<1x16xf32>,
        %add3A_245 = arith.constant 200 : i32
        %add3A_246 = arith.addi %add3A_245, %scan3A_146 : i32
        %get3A_247 = arith.index_cast %add3A_246 : i32 to index
        %get3A_248 = arith.constant 48 : index
        %get3A_249 = tpu.vector_load %arg9[%get3A_247, %get3A_248] {strides = array<i32>} : memref<400x64xf32, #tpu.memory_space<vmem>>, vector<1x16xf32>,
        %get3A_250 = vector.shape_cast %get3A_249 : vector<1x16xf32> to vector<16xf32>
        %add3A_251 = arith.addf %get3A_250, %get3A_232 : vector<16xf32>
        %swap3A_252 = arith.index_cast %add3A_246 : i32 to index
        %swap3A_253 = arith.constant 48 : index
        %swap3A_254 = tpu.vector_load %arg9[%swap3A_252, %swap3A_253] {strides = array<i32>} : memref<400x64xf32, #tpu.memory_space<vmem>>, vector<1x16xf32>,
        %swap3A_255 = vector.shape_cast %swap3A_254 : vector<1x16xf32> to vector<16xf32>
        %swap3A_256 = vector.shape_cast %add3A_251 : vector<16xf32> to vector<1x16xf32>
        tpu.vector_store %arg9[%swap3A_252, %swap3A_253], %swap3A_256 {strides = array<i32>} : memref<400x64xf32, #tpu.memory_space<vmem>>, vector<1x16xf32>,
        %scan3A_257 = arith.constant 1 : i32
        %scan3A_258 = arith.addi %scan3A_146, %scan3A_257 : i32
        %get3A_259 = arith.index_cast %scan3A_258 : i32 to index
        %get3A_260 = arith.constant 0 : index
        %get3A_261 = tpu.vector_load %arg7[%get3A_259, %get3A_260] {strides = array<i32>} : memref<200x64xf32, #tpu.memory_space<vmem>>, vector<1x16xf32>,
        %get3A_262 = vector.shape_cast %get3A_261 : vector<1x16xf32> to vector<16xf32>
        %add3A_263 = arith.constant 0 : i32
        %add3A_264 = arith.addi %add3A_263, %scan3A_258 : i32
        %get3A_265 = arith.index_cast %add3A_264 : i32 to index
        %get3A_266 = arith.constant 0 : index
        %get3A_267 = tpu.vector_load %arg9[%get3A_265, %get3A_266] {strides = array<i32>} : memref<400x64xf32, #tpu.memory_space<vmem>>, vector<1x16xf32>,
        %get3A_268 = vector.shape_cast %get3A_267 : vector<1x16xf32> to vector<16xf32>
        %add3A_269 = arith.addf %get3A_268, %get3A_262 : vector<16xf32>
        %swap3A_270 = arith.index_cast %add3A_264 : i32 to index
        %swap3A_271 = arith.constant 0 : index
        %swap3A_272 = tpu.vector_load %arg9[%swap3A_270, %swap3A_271] {strides = array<i32>} : memref<400x64xf32, #tpu.memory_space<vmem>>, vector<1x16xf32>,
        %swap3A_273 = vector.shape_cast %swap3A_272 : vector<1x16xf32> to vector<16xf32>
        %swap3A_274 = vector.shape_cast %add3A_269 : vector<16xf32> to vector<1x16xf32>
        tpu.vector_store %arg9[%swap3A_270, %swap3A_271], %swap3A_274 {strides = array<i32>} : memref<400x64xf32, #tpu.memory_space<vmem>>, vector<1x16xf32>,
        %add3A_275 = arith.constant 200 : i32
        %add3A_276 = arith.addi %add3A_275, %scan3A_258 : i32
        %get3A_277 = arith.index_cast %add3A_276 : i32 to index
        %get3A_278 = arith.constant 0 : index
        %get3A_279 = tpu.vector_load %arg9[%get3A_277, %get3A_278] {strides = array<i32>} : memref<400x64xf32, #tpu.memory_space<vmem>>, vector<1x16xf32>,
        %get3A_280 = vector.shape_cast %get3A_279 : vector<1x16xf32> to vector<16xf32>
        %add3A_281 = arith.addf %get3A_280, %get3A_262 : vector<16xf32>
        %swap3A_282 = arith.index_cast %add3A_276 : i32 to index
        %swap3A_283 = arith.constant 0 : index
        %swap3A_284 = tpu.vector_load %arg9[%swap3A_282, %swap3A_283] {strides = array<i32>} : memref<400x64xf32, #tpu.memory_space<vmem>>, vector<1x16xf32>,
        %swap3A_285 = vector.shape_cast %swap3A_284 : vector<1x16xf32> to vector<16xf32>
        %swap3A_286 = vector.shape_cast %add3A_281 : vector<16xf32> to vector<1x16xf32>
        tpu.vector_store %arg9[%swap3A_282, %swap3A_283], %swap3A_286 {strides = array<i32>} : memref<400x64xf32, #tpu.memory_space<vmem>>, vector<1x16xf32>,
        %get3A_287 = arith.index_cast %scan3A_258 : i32 to index
        %get3A_288 = arith.constant 16 : index
        %get3A_289 = tpu.vector_load %arg7[%get3A_287, %get3A_288] {strides = array<i32>} : memref<200x64xf32, #tpu.memory_space<vmem>>, vector<1x16xf32>,
        %get3A_290 = vector.shape_cast %get3A_289 : vector<1x16xf32> to vector<16xf32>
        %add3A_291 = arith.constant 0 : i32
        %add3A_292 = arith.addi %add3A_291, %scan3A_258 : i32
        %get3A_293 = arith.index_cast %add3A_292 : i32 to index
        %get3A_294 = arith.constant 16 : index
        %get3A_295 = tpu.vector_load %arg9[%get3A_293, %get3A_294] {strides = array<i32>} : memref<400x64xf32, #tpu.memory_space<vmem>>, vector<1x16xf32>,
        %get3A_296 = vector.shape_cast %get3A_295 : vector<1x16xf32> to vector<16xf32>
        %add3A_297 = arith.addf %get3A_296, %get3A_290 : vector<16xf32>
        %swap3A_298 = arith.index_cast %add3A_292 : i32 to index
        %swap3A_299 = arith.constant 16 : index
        %swap3A_300 = tpu.vector_load %arg9[%swap3A_298, %swap3A_299] {strides = array<i32>} : memref<400x64xf32, #tpu.memory_space<vmem>>, vector<1x16xf32>,
        %swap3A_301 = vector.shape_cast %swap3A_300 : vector<1x16xf32> to vector<16xf32>
        %swap3A_302 = vector.shape_cast %add3A_297 : vector<16xf32> to vector<1x16xf32>
        tpu.vector_store %arg9[%swap3A_298, %swap3A_299], %swap3A_302 {strides = array<i32>} : memref<400x64xf32, #tpu.memory_space<vmem>>, vector<1x16xf32>,
        %add3A_303 = arith.constant 200 : i32
        %add3A_304 = arith.addi %add3A_303, %scan3A_258 : i32
        %get3A_305 = arith.index_cast %add3A_304 : i32 to index
        %get3A_306 = arith.constant 16 : index
        %get3A_307 = tpu.vector_load %arg9[%get3A_305, %get3A_306] {strides = array<i32>} : memref<400x64xf32, #tpu.memory_space<vmem>>, vector<1x16xf32>,
        %get3A_308 = vector.shape_cast %get3A_307 : vector<1x16xf32> to vector<16xf32>
        %add3A_309 = arith.addf %get3A_308, %get3A_290 : vector<16xf32>
        %swap3A_310 = arith.index_cast %add3A_304 : i32 to index
        %swap3A_311 = arith.constant 16 : index
        %swap3A_312 = tpu.vector_load %arg9[%swap3A_310, %swap3A_311] {strides = array<i32>} : memref<400x64xf32, #tpu.memory_space<vmem>>, vector<1x16xf32>,
        %swap3A_313 = vector.shape_cast %swap3A_312 : vector<1x16xf32> to vector<16xf32>
        %swap3A_314 = vector.shape_cast %add3A_309 : vector<16xf32> to vector<1x16xf32>
        tpu.vector_store %arg9[%swap3A_310, %swap3A_311], %swap3A_314 {strides = array<i32>} : memref<400x64xf32, #tpu.memory_space<vmem>>, vector<1x16xf32>,
        %get3A_315 = arith.index_cast %scan3A_258 : i32 to index
        %get3A_316 = arith.constant 32 : index
        %get3A_317 = tpu.vector_load %arg7[%get3A_315, %get3A_316] {strides = array<i32>} : memref<200x64xf32, #tpu.memory_space<vmem>>, vector<1x16xf32>,
        %get3A_318 = vector.shape_cast %get3A_317 : vector<1x16xf32> to vector<16xf32>
        %add3A_319 = arith.constant 0 : i32
        %add3A_320 = arith.addi %add3A_319, %scan3A_258 : i32
        %get3A_321 = arith.index_cast %add3A_320 : i32 to index
        %get3A_322 = arith.constant 32 : index
        %get3A_323 = tpu.vector_load %arg9[%get3A_321, %get3A_322] {strides = array<i32>} : memref<400x64xf32, #tpu.memory_space<vmem>>, vector<1x16xf32>,
        %get3A_324 = vector.shape_cast %get3A_323 : vector<1x16xf32> to vector<16xf32>
        %add3A_325 = arith.addf %get3A_324, %get3A_318 : vector<16xf32>
        %swap3A_326 = arith.index_cast %add3A_320 : i32 to index
        %swap3A_327 = arith.constant 32 : index
        %swap3A_328 = tpu.vector_load %arg9[%swap3A_326, %swap3A_327] {strides = array<i32>} : memref<400x64xf32, #tpu.memory_space<vmem>>, vector<1x16xf32>,
        %swap3A_329 = vector.shape_cast %swap3A_328 : vector<1x16xf32> to vector<16xf32>
        %swap3A_330 = vector.shape_cast %add3A_325 : vector<16xf32> to vector<1x16xf32>
        tpu.vector_store %arg9[%swap3A_326, %swap3A_327], %swap3A_330 {strides = array<i32>} : memref<400x64xf32, #tpu.memory_space<vmem>>, vector<1x16xf32>,
        %add3A_331 = arith.constant 200 : i32
        %add3A_332 = arith.addi %add3A_331, %scan3A_258 : i32
        %get3A_333 = arith.index_cast %add3A_332 : i32 to index
        %get3A_334 = arith.constant 32 : index
        %get3A_335 = tpu.vector_load %arg9[%get3A_333, %get3A_334] {strides = array<i32>} : memref<400x64xf32, #tpu.memory_space<vmem>>, vector<1x16xf32>,
        %get3A_336 = vector.shape_cast %get3A_335 : vector<1x16xf32> to vector<16xf32>
        %add3A_337 = arith.addf %get3A_336, %get3A_318 : vector<16xf32>
        %swap3A_338 = arith.index_cast %add3A_332 : i32 to index
        %swap3A_339 = arith.constant 32 : index
        %swap3A_340 = tpu.vector_load %arg9[%swap3A_338, %swap3A_339] {strides = array<i32>} : memref<400x64xf32, #tpu.memory_space<vmem>>, vector<1x16xf32>,
        %swap3A_341 = vector.shape_cast %swap3A_340 : vector<1x16xf32> to vector<16xf32>
        %swap3A_342 = vector.shape_cast %add3A_337 : vector<16xf32> to vector<1x16xf32>
        tpu.vector_store %arg9[%swap3A_338, %swap3A_339], %swap3A_342 {strides = array<i32>} : memref<400x64xf32, #tpu.memory_space<vmem>>, vector<1x16xf32>,
        %get3A_343 = arith.index_cast %scan3A_258 : i32 to index
        %get3A_344 = arith.constant 48 : index
        %get3A_345 = tpu.vector_load %arg7[%get3A_343, %get3A_344] {strides = array<i32>} : memref<200x64xf32, #tpu.memory_space<vmem>>, vector<1x16xf32>,
        %get3A_346 = vector.shape_cast %get3A_345 : vector<1x16xf32> to vector<16xf32>
        %add3A_347 = arith.constant 0 : i32
        %add3A_348 = arith.addi %add3A_347, %scan3A_258 : i32
        %get3A_349 = arith.index_cast %add3A_348 : i32 to index
        %get3A_350 = arith.constant 48 : index
        %get3A_351 = tpu.vector_load %arg9[%get3A_349, %get3A_350] {strides = array<i32>} : memref<400x64xf32, #tpu.memory_space<vmem>>, vector<1x16xf32>,
        %get3A_352 = vector.shape_cast %get3A_351 : vector<1x16xf32> to vector<16xf32>
        %add3A_353 = arith.addf %get3A_352, %get3A_346 : vector<16xf32>
        %swap3A_354 = arith.index_cast %add3A_348 : i32 to index
        %swap3A_355 = arith.constant 48 : index
        %swap3A_356 = tpu.vector_load %arg9[%swap3A_354, %swap3A_355] {strides = array<i32>} : memref<400x64xf32, #tpu.memory_space<vmem>>, vector<1x16xf32>,
        %swap3A_357 = vector.shape_cast %swap3A_356 : vector<1x16xf32> to vector<16xf32>
        %swap3A_358 = vector.shape_cast %add3A_353 : vector<16xf32> to vector<1x16xf32>
        tpu.vector_store %arg9[%swap3A_354, %swap3A_355], %swap3A_358 {strides = array<i32>} : memref<400x64xf32, #tpu.memory_space<vmem>>, vector<1x16xf32>,
        %add3A_359 = arith.constant 200 : i32
        %add3A_360 = arith.addi %add3A_359, %scan3A_258 : i32
        %get3A_361 = arith.index_cast %add3A_360 : i32 to index
        %get3A_362 = arith.constant 48 : index
        %get3A_363 = tpu.vector_load %arg9[%get3A_361, %get3A_362] {strides = array<i32>} : memref<400x64xf32, #tpu.memory_space<vmem>>, vector<1x16xf32>,
        %get3A_364 = vector.shape_cast %get3A_363 : vector<1x16xf32> to vector<16xf32>
        %add3A_365 = arith.addf %get3A_364, %get3A_346 : vector<16xf32>
        %swap3A_366 = arith.index_cast %add3A_360 : i32 to index
        %swap3A_367 = arith.constant 48 : index
        %swap3A_368 = tpu.vector_load %arg9[%swap3A_366, %swap3A_367] {strides = array<i32>} : memref<400x64xf32, #tpu.memory_space<vmem>>, vector<1x16xf32>,
        %swap3A_369 = vector.shape_cast %swap3A_368 : vector<1x16xf32> to vector<16xf32>
        %swap3A_370 = vector.shape_cast %add3A_365 : vector<16xf32> to vector<1x16xf32>
        tpu.vector_store %arg9[%swap3A_366, %swap3A_367], %swap3A_370 {strides = array<i32>} : memref<400x64xf32, #tpu.memory_space<vmem>>, vector<1x16xf32>,
      }
      %scan3A_99 = arith.constant 200 : i32
      %mul3A_100 = arith.constant 400 : i32
      %mul3A_101 = arith.muli %add3A_87, %mul3A_100 : i32
      %add3A_102 = arith.addi %multiple_of3A, %mul3A_101 : i32
      %multiple_of3A_103 = tpu.assume_multiple %add3A_102, 400 : i32
      %dma_start3A_104 = arith.constant 0 : i32
      %dma_start3A_105 = tpu.memref_slice %arg5[%multiple_of3A_103, %dma_start3A_104] : memref<819200x128xf32, #tpu.memory_space<hbm>> -> memref<400x64xf32, #tpu.memory_space<hbm>>
      %dma_start3A_106 = arith.constant 0 : i32
      %dma_start3A_107 = tpu.memref_slice %arg5[%multiple_of3A_103, %dma_start3A_106] : memref<819200x128xf32, #tpu.memory_space<hbm>> -> memref<400x64xf32, #tpu.memory_space<hbm>>
      tpu.enqueue_dma source(%arg9 : memref<400x64xf32, #tpu.memory_space<vmem>>) target(%dma_start3A_107 : memref<400x64xf32, #tpu.memory_space<hbm>>) target_semaphore(%arg15 : memref<!tpu.dma_semaphore, #tpu.memory_space<semaphore_mem>>)
      %add3A_108 = arith.constant 2 : i32
      %add3A_109 = arith.addi %add3A_87, %add3A_108 : i32
      %lt3A_110 = arith.constant 64 : i32
      %lt3A_111 = arith.cmpi slt, %add3A_109, %lt3A_110 : i32
      %convert_element_type3A_112 = arith.extui %lt3A_111 : i1 to i32
      %cond3A_113 = arith.constant 0 : i32
      %cond3A_114 = arith.cmpi ne, %convert_element_type3A_112, %cond3A_113 : i32
      scf.if %cond3A_114 {
        %ge3A = arith.constant 1 : i32
        %ge3A_146 = arith.cmpi sge, %add3A_87, %ge3A : i32
        %convert_element_type3A_147 = arith.extui %ge3A_146 : i1 to i32
        %cond3A_148 = arith.constant 0 : i32
        %cond3A_149 = arith.cmpi ne, %convert_element_type3A_147, %cond3A_148 : i32
        scf.if %cond3A_149 {
          %dma_wait3A_159 = arith.constant 0 : i32
          %dma_wait3A_160 = arith.constant 0 : i32
          %dma_wait3A_161 = tpu.memref_slice %arg5[%dma_wait3A_159, %dma_wait3A_160] : memref<819200x128xf32, #tpu.memory_space<hbm>> -> memref<400x64xf32, #tpu.memory_space<hbm>>
          %dma_wait3A_162 = arith.constant 0 : i32
          %dma_wait3A_163 = arith.constant 0 : i32
          %dma_wait3A_164 = tpu.memref_slice %arg5[%dma_wait3A_162, %dma_wait3A_163] : memref<819200x128xf32, #tpu.memory_space<hbm>> -> memref<400x64xf32, #tpu.memory_space<hbm>>
          tpu.wait_dma2 semaphore(%arg14 : memref<!tpu.dma_semaphore, #tpu.memory_space<semaphore_mem>>) src(%arg8 : memref<400x64xf32, #tpu.memory_space<vmem>>) dst(%dma_wait3A_164 : memref<400x64xf32, #tpu.memory_space<hbm>>)
        } else {
        }
        %add3A_150 = arith.constant 2 : i32
        %add3A_151 = arith.addi %add3A_87, %add3A_150 : i32
        %mul3A_152 = arith.constant 400 : i32
        %mul3A_153 = arith.muli %add3A_151, %mul3A_152 : i32
        %multiple_of3A_154 = tpu.assume_multiple %mul3A_153, 8 : i32
        %dma_start3A_155 = tpu.memref_slice %arg6[%multiple_of3A_154] : memref<25600xi32, #tpu.memory_space<vmem>> -> memref<400xi32, #tpu.memory_space<vmem>>
        %dma_start3A_156 = arith.constant 0 : i32
        %dma_start3A_157 = arith.constant 0 : i32
        %dma_start3A_158 = tpu.memref_slice %arg2[%dma_start3A_156, %dma_start3A_157] : memref<2000000x64xf32, #tpu.memory_space<hbm>> -> memref<2000000x64xf32, #tpu.memory_space<hbm>>
        tpu.enqueue_indirect_dma source(%dma_start3A_158 : memref<2000000x64xf32, #tpu.memory_space<hbm>>) target(%arg8 : memref<400x64xf32, #tpu.memory_space<vmem>>) offsets(%dma_start3A_155 : memref<400xi32, #tpu.memory_space<vmem>>) semaphore(%arg11 : memref<!tpu.dma_semaphore, #tpu.memory_space<semaphore_mem>>)
      } else {
      }
      %mul3A_115 = arith.constant 3 : i32
      %mul3A_116 = arith.muli %scan3A_55, %mul3A_115 : i32
      %add3A_117 = arith.constant 2 : i32
      %add3A_118 = arith.addi %mul3A_116, %add3A_117 : i32
      %dma_wait3A_119 = arith.constant 0 : i32
      %dma_wait3A_120 = arith.constant 0 : i32
      %dma_wait3A_121 = tpu.memref_slice %arg2[%dma_wait3A_119, %dma_wait3A_120] : memref<2000000x64xf32, #tpu.memory_space<hbm>> -> memref<400x64xf32, #tpu.memory_space<hbm>>
      %dma_wait3A_122 = arith.constant 0 : i32
      %dma_wait3A_123 = arith.constant 0 : i32
      %dma_wait3A_124 = tpu.memref_slice %arg2[%dma_wait3A_122, %dma_wait3A_123] : memref<2000000x64xf32, #tpu.memory_space<hbm>> -> memref<400x64xf32, #tpu.memory_space<hbm>>
      tpu.wait_dma2 semaphore(%arg13 : memref<!tpu.dma_semaphore, #tpu.memory_space<semaphore_mem>>) src(%dma_wait3A_124 : memref<400x64xf32, #tpu.memory_space<hbm>>) dst(%arg10 : memref<400x64xf32, #tpu.memory_space<vmem>>)
      %scan3A_125 = arith.constant 0 : i32
      %scan3A_126 = arith.constant 0 : i32
      %scan3A_127 = arith.constant 200 : i32
      %scan3A_128 = arith.addi %scan3A_126, %scan3A_127 : i32
      %scan3A_129 = arith.constant 2 : i32
      scf.for %scan3A_146 = %scan3A_126 to %scan3A_128 step %scan3A_129  : i32 {
        %get3A = arith.index_cast %scan3A_146 : i32 to index
        %get3A_147 = arith.constant 0 : index
        %get3A_148 = tpu.vector_load %arg7[%get3A, %get3A_147] {strides = array<i32>} : memref<200x64xf32, #tpu.memory_space<vmem>>, vector<1x16xf32>,
        %get3A_149 = vector.shape_cast %get3A_148 : vector<1x16xf32> to vector<16xf32>
        %add3A_150 = arith.constant 0 : i32
        %add3A_151 = arith.addi %add3A_150, %scan3A_146 : i32
        %get3A_152 = arith.index_cast %add3A_151 : i32 to index
        %get3A_153 = arith.constant 0 : index
        %get3A_154 = tpu.vector_load %arg10[%get3A_152, %get3A_153] {strides = array<i32>} : memref<400x64xf32, #tpu.memory_space<vmem>>, vector<1x16xf32>,
        %get3A_155 = vector.shape_cast %get3A_154 : vector<1x16xf32> to vector<16xf32>
        %add3A_156 = arith.addf %get3A_155, %get3A_149 : vector<16xf32>
        %swap3A = arith.index_cast %add3A_151 : i32 to index
        %swap3A_157 = arith.constant 0 : index
        %swap3A_158 = tpu.vector_load %arg10[%swap3A, %swap3A_157] {strides = array<i32>} : memref<400x64xf32, #tpu.memory_space<vmem>>, vector<1x16xf32>,
        %swap3A_159 = vector.shape_cast %swap3A_158 : vector<1x16xf32> to vector<16xf32>
        %swap3A_160 = vector.shape_cast %add3A_156 : vector<16xf32> to vector<1x16xf32>
        tpu.vector_store %arg10[%swap3A, %swap3A_157], %swap3A_160 {strides = array<i32>} : memref<400x64xf32, #tpu.memory_space<vmem>>, vector<1x16xf32>,
        %add3A_161 = arith.constant 200 : i32
        %add3A_162 = arith.addi %add3A_161, %scan3A_146 : i32
        %get3A_163 = arith.index_cast %add3A_162 : i32 to index
        %get3A_164 = arith.constant 0 : index
        %get3A_165 = tpu.vector_load %arg10[%get3A_163, %get3A_164] {strides = array<i32>} : memref<400x64xf32, #tpu.memory_space<vmem>>, vector<1x16xf32>,
        %get3A_166 = vector.shape_cast %get3A_165 : vector<1x16xf32> to vector<16xf32>
        %add3A_167 = arith.addf %get3A_166, %get3A_149 : vector<16xf32>
        %swap3A_168 = arith.index_cast %add3A_162 : i32 to index
        %swap3A_169 = arith.constant 0 : index
        %swap3A_170 = tpu.vector_load %arg10[%swap3A_168, %swap3A_169] {strides = array<i32>} : memref<400x64xf32, #tpu.memory_space<vmem>>, vector<1x16xf32>,
        %swap3A_171 = vector.shape_cast %swap3A_170 : vector<1x16xf32> to vector<16xf32>
        %swap3A_172 = vector.shape_cast %add3A_167 : vector<16xf32> to vector<1x16xf32>
        tpu.vector_store %arg10[%swap3A_168, %swap3A_169], %swap3A_172 {strides = array<i32>} : memref<400x64xf32, #tpu.memory_space<vmem>>, vector<1x16xf32>,
        %get3A_173 = arith.index_cast %scan3A_146 : i32 to index
        %get3A_174 = arith.constant 16 : index
        %get3A_175 = tpu.vector_load %arg7[%get3A_173, %get3A_174] {strides = array<i32>} : memref<200x64xf32, #tpu.memory_space<vmem>>, vector<1x16xf32>,
        %get3A_176 = vector.shape_cast %get3A_175 : vector<1x16xf32> to vector<16xf32>
        %add3A_177 = arith.constant 0 : i32
        %add3A_178 = arith.addi %add3A_177, %scan3A_146 : i32
        %get3A_179 = arith.index_cast %add3A_178 : i32 to index
        %get3A_180 = arith.constant 16 : index
        %get3A_181 = tpu.vector_load %arg10[%get3A_179, %get3A_180] {strides = array<i32>} : memref<400x64xf32, #tpu.memory_space<vmem>>, vector<1x16xf32>,
        %get3A_182 = vector.shape_cast %get3A_181 : vector<1x16xf32> to vector<16xf32>
        %add3A_183 = arith.addf %get3A_182, %get3A_176 : vector<16xf32>
        %swap3A_184 = arith.index_cast %add3A_178 : i32 to index
        %swap3A_185 = arith.constant 16 : index
        %swap3A_186 = tpu.vector_load %arg10[%swap3A_184, %swap3A_185] {strides = array<i32>} : memref<400x64xf32, #tpu.memory_space<vmem>>, vector<1x16xf32>,
        %swap3A_187 = vector.shape_cast %swap3A_186 : vector<1x16xf32> to vector<16xf32>
        %swap3A_188 = vector.shape_cast %add3A_183 : vector<16xf32> to vector<1x16xf32>
        tpu.vector_store %arg10[%swap3A_184, %swap3A_185], %swap3A_188 {strides = array<i32>} : memref<400x64xf32, #tpu.memory_space<vmem>>, vector<1x16xf32>,
        %add3A_189 = arith.constant 200 : i32
        %add3A_190 = arith.addi %add3A_189, %scan3A_146 : i32
        %get3A_191 = arith.index_cast %add3A_190 : i32 to index
        %get3A_192 = arith.constant 16 : index
        %get3A_193 = tpu.vector_load %arg10[%get3A_191, %get3A_192] {strides = array<i32>} : memref<400x64xf32, #tpu.memory_space<vmem>>, vector<1x16xf32>,
        %get3A_194 = vector.shape_cast %get3A_193 : vector<1x16xf32> to vector<16xf32>
        %add3A_195 = arith.addf %get3A_194, %get3A_176 : vector<16xf32>
        %swap3A_196 = arith.index_cast %add3A_190 : i32 to index
        %swap3A_197 = arith.constant 16 : index
        %swap3A_198 = tpu.vector_load %arg10[%swap3A_196, %swap3A_197] {strides = array<i32>} : memref<400x64xf32, #tpu.memory_space<vmem>>, vector<1x16xf32>,
        %swap3A_199 = vector.shape_cast %swap3A_198 : vector<1x16xf32> to vector<16xf32>
        %swap3A_200 = vector.shape_cast %add3A_195 : vector<16xf32> to vector<1x16xf32>
        tpu.vector_store %arg10[%swap3A_196, %swap3A_197], %swap3A_200 {strides = array<i32>} : memref<400x64xf32, #tpu.memory_space<vmem>>, vector<1x16xf32>,
        %get3A_201 = arith.index_cast %scan3A_146 : i32 to index
        %get3A_202 = arith.constant 32 : index
        %get3A_203 = tpu.vector_load %arg7[%get3A_201, %get3A_202] {strides = array<i32>} : memref<200x64xf32, #tpu.memory_space<vmem>>, vector<1x16xf32>,
        %get3A_204 = vector.shape_cast %get3A_203 : vector<1x16xf32> to vector<16xf32>
        %add3A_205 = arith.constant 0 : i32
        %add3A_206 = arith.addi %add3A_205, %scan3A_146 : i32
        %get3A_207 = arith.index_cast %add3A_206 : i32 to index
        %get3A_208 = arith.constant 32 : index
        %get3A_209 = tpu.vector_load %arg10[%get3A_207, %get3A_208] {strides = array<i32>} : memref<400x64xf32, #tpu.memory_space<vmem>>, vector<1x16xf32>,
        %get3A_210 = vector.shape_cast %get3A_209 : vector<1x16xf32> to vector<16xf32>
        %add3A_211 = arith.addf %get3A_210, %get3A_204 : vector<16xf32>
        %swap3A_212 = arith.index_cast %add3A_206 : i32 to index
        %swap3A_213 = arith.constant 32 : index
        %swap3A_214 = tpu.vector_load %arg10[%swap3A_212, %swap3A_213] {strides = array<i32>} : memref<400x64xf32, #tpu.memory_space<vmem>>, vector<1x16xf32>,
        %swap3A_215 = vector.shape_cast %swap3A_214 : vector<1x16xf32> to vector<16xf32>
        %swap3A_216 = vector.shape_cast %add3A_211 : vector<16xf32> to vector<1x16xf32>
        tpu.vector_store %arg10[%swap3A_212, %swap3A_213], %swap3A_216 {strides = array<i32>} : memref<400x64xf32, #tpu.memory_space<vmem>>, vector<1x16xf32>,
        %add3A_217 = arith.constant 200 : i32
        %add3A_218 = arith.addi %add3A_217, %scan3A_146 : i32
        %get3A_219 = arith.index_cast %add3A_218 : i32 to index
        %get3A_220 = arith.constant 32 : index
        %get3A_221 = tpu.vector_load %arg10[%get3A_219, %get3A_220] {strides = array<i32>} : memref<400x64xf32, #tpu.memory_space<vmem>>, vector<1x16xf32>,
        %get3A_222 = vector.shape_cast %get3A_221 : vector<1x16xf32> to vector<16xf32>
        %add3A_223 = arith.addf %get3A_222, %get3A_204 : vector<16xf32>
        %swap3A_224 = arith.index_cast %add3A_218 : i32 to index
        %swap3A_225 = arith.constant 32 : index
        %swap3A_226 = tpu.vector_load %arg10[%swap3A_224, %swap3A_225] {strides = array<i32>} : memref<400x64xf32, #tpu.memory_space<vmem>>, vector<1x16xf32>,
        %swap3A_227 = vector.shape_cast %swap3A_226 : vector<1x16xf32> to vector<16xf32>
        %swap3A_228 = vector.shape_cast %add3A_223 : vector<16xf32> to vector<1x16xf32>
        tpu.vector_store %arg10[%swap3A_224, %swap3A_225], %swap3A_228 {strides = array<i32>} : memref<400x64xf32, #tpu.memory_space<vmem>>, vector<1x16xf32>,
        %get3A_229 = arith.index_cast %scan3A_146 : i32 to index
        %get3A_230 = arith.constant 48 : index
        %get3A_231 = tpu.vector_load %arg7[%get3A_229, %get3A_230] {strides = array<i32>} : memref<200x64xf32, #tpu.memory_space<vmem>>, vector<1x16xf32>,
        %get3A_232 = vector.shape_cast %get3A_231 : vector<1x16xf32> to vector<16xf32>
        %add3A_233 = arith.constant 0 : i32
        %add3A_234 = arith.addi %add3A_233, %scan3A_146 : i32
        %get3A_235 = arith.index_cast %add3A_234 : i32 to index
        %get3A_236 = arith.constant 48 : index
        %get3A_237 = tpu.vector_load %arg10[%get3A_235, %get3A_236] {strides = array<i32>} : memref<400x64xf32, #tpu.memory_space<vmem>>, vector<1x16xf32>,
        %get3A_238 = vector.shape_cast %get3A_237 : vector<1x16xf32> to vector<16xf32>
        %add3A_239 = arith.addf %get3A_238, %get3A_232 : vector<16xf32>
        %swap3A_240 = arith.index_cast %add3A_234 : i32 to index
        %swap3A_241 = arith.constant 48 : index
        %swap3A_242 = tpu.vector_load %arg10[%swap3A_240, %swap3A_241] {strides = array<i32>} : memref<400x64xf32, #tpu.memory_space<vmem>>, vector<1x16xf32>,
        %swap3A_243 = vector.shape_cast %swap3A_242 : vector<1x16xf32> to vector<16xf32>
        %swap3A_244 = vector.shape_cast %add3A_239 : vector<16xf32> to vector<1x16xf32>
        tpu.vector_store %arg10[%swap3A_240, %swap3A_241], %swap3A_244 {strides = array<i32>} : memref<400x64xf32, #tpu.memory_space<vmem>>, vector<1x16xf32>,
        %add3A_245 = arith.constant 200 : i32
        %add3A_246 = arith.addi %add3A_245, %scan3A_146 : i32
        %get3A_247 = arith.index_cast %add3A_246 : i32 to index
        %get3A_248 = arith.constant 48 : index
        %get3A_249 = tpu.vector_load %arg10[%get3A_247, %get3A_248] {strides = array<i32>} : memref<400x64xf32, #tpu.memory_space<vmem>>, vector<1x16xf32>,
        %get3A_250 = vector.shape_cast %get3A_249 : vector<1x16xf32> to vector<16xf32>
        %add3A_251 = arith.addf %get3A_250, %get3A_232 : vector<16xf32>
        %swap3A_252 = arith.index_cast %add3A_246 : i32 to index
        %swap3A_253 = arith.constant 48 : index
        %swap3A_254 = tpu.vector_load %arg10[%swap3A_252, %swap3A_253] {strides = array<i32>} : memref<400x64xf32, #tpu.memory_space<vmem>>, vector<1x16xf32>,
        %swap3A_255 = vector.shape_cast %swap3A_254 : vector<1x16xf32> to vector<16xf32>
        %swap3A_256 = vector.shape_cast %add3A_251 : vector<16xf32> to vector<1x16xf32>
        tpu.vector_store %arg10[%swap3A_252, %swap3A_253], %swap3A_256 {strides = array<i32>} : memref<400x64xf32, #tpu.memory_space<vmem>>, vector<1x16xf32>,
        %scan3A_257 = arith.constant 1 : i32
        %scan3A_258 = arith.addi %scan3A_146, %scan3A_257 : i32
        %get3A_259 = arith.index_cast %scan3A_258 : i32 to index
        %get3A_260 = arith.constant 0 : index
        %get3A_261 = tpu.vector_load %arg7[%get3A_259, %get3A_260] {strides = array<i32>} : memref<200x64xf32, #tpu.memory_space<vmem>>, vector<1x16xf32>,
        %get3A_262 = vector.shape_cast %get3A_261 : vector<1x16xf32> to vector<16xf32>
        %add3A_263 = arith.constant 0 : i32
        %add3A_264 = arith.addi %add3A_263, %scan3A_258 : i32
        %get3A_265 = arith.index_cast %add3A_264 : i32 to index
        %get3A_266 = arith.constant 0 : index
        %get3A_267 = tpu.vector_load %arg10[%get3A_265, %get3A_266] {strides = array<i32>} : memref<400x64xf32, #tpu.memory_space<vmem>>, vector<1x16xf32>,
        %get3A_268 = vector.shape_cast %get3A_267 : vector<1x16xf32> to vector<16xf32>
        %add3A_269 = arith.addf %get3A_268, %get3A_262 : vector<16xf32>
        %swap3A_270 = arith.index_cast %add3A_264 : i32 to index
        %swap3A_271 = arith.constant 0 : index
        %swap3A_272 = tpu.vector_load %arg10[%swap3A_270, %swap3A_271] {strides = array<i32>} : memref<400x64xf32, #tpu.memory_space<vmem>>, vector<1x16xf32>,
        %swap3A_273 = vector.shape_cast %swap3A_272 : vector<1x16xf32> to vector<16xf32>
        %swap3A_274 = vector.shape_cast %add3A_269 : vector<16xf32> to vector<1x16xf32>
        tpu.vector_store %arg10[%swap3A_270, %swap3A_271], %swap3A_274 {strides = array<i32>} : memref<400x64xf32, #tpu.memory_space<vmem>>, vector<1x16xf32>,
        %add3A_275 = arith.constant 200 : i32
        %add3A_276 = arith.addi %add3A_275, %scan3A_258 : i32
        %get3A_277 = arith.index_cast %add3A_276 : i32 to index
        %get3A_278 = arith.constant 0 : index
        %get3A_279 = tpu.vector_load %arg10[%get3A_277, %get3A_278] {strides = array<i32>} : memref<400x64xf32, #tpu.memory_space<vmem>>, vector<1x16xf32>,
        %get3A_280 = vector.shape_cast %get3A_279 : vector<1x16xf32> to vector<16xf32>
        %add3A_281 = arith.addf %get3A_280, %get3A_262 : vector<16xf32>
        %swap3A_282 = arith.index_cast %add3A_276 : i32 to index
        %swap3A_283 = arith.constant 0 : index
        %swap3A_284 = tpu.vector_load %arg10[%swap3A_282, %swap3A_283] {strides = array<i32>} : memref<400x64xf32, #tpu.memory_space<vmem>>, vector<1x16xf32>,
        %swap3A_285 = vector.shape_cast %swap3A_284 : vector<1x16xf32> to vector<16xf32>
        %swap3A_286 = vector.shape_cast %add3A_281 : vector<16xf32> to vector<1x16xf32>
        tpu.vector_store %arg10[%swap3A_282, %swap3A_283], %swap3A_286 {strides = array<i32>} : memref<400x64xf32, #tpu.memory_space<vmem>>, vector<1x16xf32>,
        %get3A_287 = arith.index_cast %scan3A_258 : i32 to index
        %get3A_288 = arith.constant 16 : index
        %get3A_289 = tpu.vector_load %arg7[%get3A_287, %get3A_288] {strides = array<i32>} : memref<200x64xf32, #tpu.memory_space<vmem>>, vector<1x16xf32>,
        %get3A_290 = vector.shape_cast %get3A_289 : vector<1x16xf32> to vector<16xf32>
        %add3A_291 = arith.constant 0 : i32
        %add3A_292 = arith.addi %add3A_291, %scan3A_258 : i32
        %get3A_293 = arith.index_cast %add3A_292 : i32 to index
        %get3A_294 = arith.constant 16 : index
        %get3A_295 = tpu.vector_load %arg10[%get3A_293, %get3A_294] {strides = array<i32>} : memref<400x64xf32, #tpu.memory_space<vmem>>, vector<1x16xf32>,
        %get3A_296 = vector.shape_cast %get3A_295 : vector<1x16xf32> to vector<16xf32>
        %add3A_297 = arith.addf %get3A_296, %get3A_290 : vector<16xf32>
        %swap3A_298 = arith.index_cast %add3A_292 : i32 to index
        %swap3A_299 = arith.constant 16 : index
        %swap3A_300 = tpu.vector_load %arg10[%swap3A_298, %swap3A_299] {strides = array<i32>} : memref<400x64xf32, #tpu.memory_space<vmem>>, vector<1x16xf32>,
        %swap3A_301 = vector.shape_cast %swap3A_300 : vector<1x16xf32> to vector<16xf32>
        %swap3A_302 = vector.shape_cast %add3A_297 : vector<16xf32> to vector<1x16xf32>
        tpu.vector_store %arg10[%swap3A_298, %swap3A_299], %swap3A_302 {strides = array<i32>} : memref<400x64xf32, #tpu.memory_space<vmem>>, vector<1x16xf32>,
        %add3A_303 = arith.constant 200 : i32
        %add3A_304 = arith.addi %add3A_303, %scan3A_258 : i32
        %get3A_305 = arith.index_cast %add3A_304 : i32 to index
        %get3A_306 = arith.constant 16 : index
        %get3A_307 = tpu.vector_load %arg10[%get3A_305, %get3A_306] {strides = array<i32>} : memref<400x64xf32, #tpu.memory_space<vmem>>, vector<1x16xf32>,
        %get3A_308 = vector.shape_cast %get3A_307 : vector<1x16xf32> to vector<16xf32>
        %add3A_309 = arith.addf %get3A_308, %get3A_290 : vector<16xf32>
        %swap3A_310 = arith.index_cast %add3A_304 : i32 to index
        %swap3A_311 = arith.constant 16 : index
        %swap3A_312 = tpu.vector_load %arg10[%swap3A_310, %swap3A_311] {strides = array<i32>} : memref<400x64xf32, #tpu.memory_space<vmem>>, vector<1x16xf32>,
        %swap3A_313 = vector.shape_cast %swap3A_312 : vector<1x16xf32> to vector<16xf32>
        %swap3A_314 = vector.shape_cast %add3A_309 : vector<16xf32> to vector<1x16xf32>
        tpu.vector_store %arg10[%swap3A_310, %swap3A_311], %swap3A_314 {strides = array<i32>} : memref<400x64xf32, #tpu.memory_space<vmem>>, vector<1x16xf32>,
        %get3A_315 = arith.index_cast %scan3A_258 : i32 to index
        %get3A_316 = arith.constant 32 : index
        %get3A_317 = tpu.vector_load %arg7[%get3A_315, %get3A_316] {strides = array<i32>} : memref<200x64xf32, #tpu.memory_space<vmem>>, vector<1x16xf32>,
        %get3A_318 = vector.shape_cast %get3A_317 : vector<1x16xf32> to vector<16xf32>
        %add3A_319 = arith.constant 0 : i32
        %add3A_320 = arith.addi %add3A_319, %scan3A_258 : i32
        %get3A_321 = arith.index_cast %add3A_320 : i32 to index
        %get3A_322 = arith.constant 32 : index
        %get3A_323 = tpu.vector_load %arg10[%get3A_321, %get3A_322] {strides = array<i32>} : memref<400x64xf32, #tpu.memory_space<vmem>>, vector<1x16xf32>,
        %get3A_324 = vector.shape_cast %get3A_323 : vector<1x16xf32> to vector<16xf32>
        %add3A_325 = arith.addf %get3A_324, %get3A_318 : vector<16xf32>
        %swap3A_326 = arith.index_cast %add3A_320 : i32 to index
        %swap3A_327 = arith.constant 32 : index
        %swap3A_328 = tpu.vector_load %arg10[%swap3A_326, %swap3A_327] {strides = array<i32>} : memref<400x64xf32, #tpu.memory_space<vmem>>, vector<1x16xf32>,
        %swap3A_329 = vector.shape_cast %swap3A_328 : vector<1x16xf32> to vector<16xf32>
        %swap3A_330 = vector.shape_cast %add3A_325 : vector<16xf32> to vector<1x16xf32>
        tpu.vector_store %arg10[%swap3A_326, %swap3A_327], %swap3A_330 {strides = array<i32>} : memref<400x64xf32, #tpu.memory_space<vmem>>, vector<1x16xf32>,
        %add3A_331 = arith.constant 200 : i32
        %add3A_332 = arith.addi %add3A_331, %scan3A_258 : i32
        %get3A_333 = arith.index_cast %add3A_332 : i32 to index
        %get3A_334 = arith.constant 32 : index
        %get3A_335 = tpu.vector_load %arg10[%get3A_333, %get3A_334] {strides = array<i32>} : memref<400x64xf32, #tpu.memory_space<vmem>>, vector<1x16xf32>,
        %get3A_336 = vector.shape_cast %get3A_335 : vector<1x16xf32> to vector<16xf32>
        %add3A_337 = arith.addf %get3A_336, %get3A_318 : vector<16xf32>
        %swap3A_338 = arith.index_cast %add3A_332 : i32 to index
        %swap3A_339 = arith.constant 32 : index
        %swap3A_340 = tpu.vector_load %arg10[%swap3A_338, %swap3A_339] {strides = array<i32>} : memref<400x64xf32, #tpu.memory_space<vmem>>, vector<1x16xf32>,
        %swap3A_341 = vector.shape_cast %swap3A_340 : vector<1x16xf32> to vector<16xf32>
        %swap3A_342 = vector.shape_cast %add3A_337 : vector<16xf32> to vector<1x16xf32>
        tpu.vector_store %arg10[%swap3A_338, %swap3A_339], %swap3A_342 {strides = array<i32>} : memref<400x64xf32, #tpu.memory_space<vmem>>, vector<1x16xf32>,
        %get3A_343 = arith.index_cast %scan3A_258 : i32 to index
        %get3A_344 = arith.constant 48 : index
        %get3A_345 = tpu.vector_load %arg7[%get3A_343, %get3A_344] {strides = array<i32>} : memref<200x64xf32, #tpu.memory_space<vmem>>, vector<1x16xf32>,
        %get3A_346 = vector.shape_cast %get3A_345 : vector<1x16xf32> to vector<16xf32>
        %add3A_347 = arith.constant 0 : i32
        %add3A_348 = arith.addi %add3A_347, %scan3A_258 : i32
        %get3A_349 = arith.index_cast %add3A_348 : i32 to index
        %get3A_350 = arith.constant 48 : index
        %get3A_351 = tpu.vector_load %arg10[%get3A_349, %get3A_350] {strides = array<i32>} : memref<400x64xf32, #tpu.memory_space<vmem>>, vector<1x16xf32>,
        %get3A_352 = vector.shape_cast %get3A_351 : vector<1x16xf32> to vector<16xf32>
        %add3A_353 = arith.addf %get3A_352, %get3A_346 : vector<16xf32>
        %swap3A_354 = arith.index_cast %add3A_348 : i32 to index
        %swap3A_355 = arith.constant 48 : index
        %swap3A_356 = tpu.vector_load %arg10[%swap3A_354, %swap3A_355] {strides = array<i32>} : memref<400x64xf32, #tpu.memory_space<vmem>>, vector<1x16xf32>,
        %swap3A_357 = vector.shape_cast %swap3A_356 : vector<1x16xf32> to vector<16xf32>
        %swap3A_358 = vector.shape_cast %add3A_353 : vector<16xf32> to vector<1x16xf32>
        tpu.vector_store %arg10[%swap3A_354, %swap3A_355], %swap3A_358 {strides = array<i32>} : memref<400x64xf32, #tpu.memory_space<vmem>>, vector<1x16xf32>,
        %add3A_359 = arith.constant 200 : i32
        %add3A_360 = arith.addi %add3A_359, %scan3A_258 : i32
        %get3A_361 = arith.index_cast %add3A_360 : i32 to index
        %get3A_362 = arith.constant 48 : index
        %get3A_363 = tpu.vector_load %arg10[%get3A_361, %get3A_362] {strides = array<i32>} : memref<400x64xf32, #tpu.memory_space<vmem>>, vector<1x16xf32>,
        %get3A_364 = vector.shape_cast %get3A_363 : vector<1x16xf32> to vector<16xf32>
        %add3A_365 = arith.addf %get3A_364, %get3A_346 : vector<16xf32>
        %swap3A_366 = arith.index_cast %add3A_360 : i32 to index
        %swap3A_367 = arith.constant 48 : index
        %swap3A_368 = tpu.vector_load %arg10[%swap3A_366, %swap3A_367] {strides = array<i32>} : memref<400x64xf32, #tpu.memory_space<vmem>>, vector<1x16xf32>,
        %swap3A_369 = vector.shape_cast %swap3A_368 : vector<1x16xf32> to vector<16xf32>
        %swap3A_370 = vector.shape_cast %add3A_365 : vector<16xf32> to vector<1x16xf32>
        tpu.vector_store %arg10[%swap3A_366, %swap3A_367], %swap3A_370 {strides = array<i32>} : memref<400x64xf32, #tpu.memory_space<vmem>>, vector<1x16xf32>,
      }
      %scan3A_130 = arith.constant 200 : i32
      %mul3A_131 = arith.constant 400 : i32
      %mul3A_132 = arith.muli %add3A_118, %mul3A_131 : i32
      %add3A_133 = arith.addi %multiple_of3A, %mul3A_132 : i32
      %multiple_of3A_134 = tpu.assume_multiple %add3A_133, 400 : i32
      %dma_start3A_135 = arith.constant 0 : i32
      %dma_start3A_136 = tpu.memref_slice %arg5[%multiple_of3A_134, %dma_start3A_135] : memref<819200x128xf32, #tpu.memory_space<hbm>> -> memref<400x64xf32, #tpu.memory_space<hbm>>
      %dma_start3A_137 = arith.constant 0 : i32
      %dma_start3A_138 = tpu.memref_slice %arg5[%multiple_of3A_134, %dma_start3A_137] : memref<819200x128xf32, #tpu.memory_space<hbm>> -> memref<400x64xf32, #tpu.memory_space<hbm>>
      tpu.enqueue_dma source(%arg10 : memref<400x64xf32, #tpu.memory_space<vmem>>) target(%dma_start3A_138 : memref<400x64xf32, #tpu.memory_space<hbm>>) target_semaphore(%arg16 : memref<!tpu.dma_semaphore, #tpu.memory_space<semaphore_mem>>)
      %add3A_139 = arith.constant 2 : i32
      %add3A_140 = arith.addi %add3A_118, %add3A_139 : i32
      %lt3A_141 = arith.constant 64 : i32
      %lt3A_142 = arith.cmpi slt, %add3A_140, %lt3A_141 : i32
      %convert_element_type3A_143 = arith.extui %lt3A_142 : i1 to i32
      %cond3A_144 = arith.constant 0 : i32
      %cond3A_145 = arith.cmpi ne, %convert_element_type3A_143, %cond3A_144 : i32
      scf.if %cond3A_145 {
        %ge3A = arith.constant 1 : i32
        %ge3A_146 = arith.cmpi sge, %add3A_118, %ge3A : i32
        %convert_element_type3A_147 = arith.extui %ge3A_146 : i1 to i32
        %cond3A_148 = arith.constant 0 : i32
        %cond3A_149 = arith.cmpi ne, %convert_element_type3A_147, %cond3A_148 : i32
        scf.if %cond3A_149 {
          %dma_wait3A_159 = arith.constant 0 : i32
          %dma_wait3A_160 = arith.constant 0 : i32
          %dma_wait3A_161 = tpu.memref_slice %arg5[%dma_wait3A_159, %dma_wait3A_160] : memref<819200x128xf32, #tpu.memory_space<hbm>> -> memref<400x64xf32, #tpu.memory_space<hbm>>
          %dma_wait3A_162 = arith.constant 0 : i32
          %dma_wait3A_163 = arith.constant 0 : i32
          %dma_wait3A_164 = tpu.memref_slice %arg5[%dma_wait3A_162, %dma_wait3A_163] : memref<819200x128xf32, #tpu.memory_space<hbm>> -> memref<400x64xf32, #tpu.memory_space<hbm>>
          tpu.wait_dma2 semaphore(%arg15 : memref<!tpu.dma_semaphore, #tpu.memory_space<semaphore_mem>>) src(%arg9 : memref<400x64xf32, #tpu.memory_space<vmem>>) dst(%dma_wait3A_164 : memref<400x64xf32, #tpu.memory_space<hbm>>)
        } else {
        }
        %add3A_150 = arith.constant 2 : i32
        %add3A_151 = arith.addi %add3A_118, %add3A_150 : i32
        %mul3A_152 = arith.constant 400 : i32
        %mul3A_153 = arith.muli %add3A_151, %mul3A_152 : i32
        %multiple_of3A_154 = tpu.assume_multiple %mul3A_153, 8 : i32
        %dma_start3A_155 = tpu.memref_slice %arg6[%multiple_of3A_154] : memref<25600xi32, #tpu.memory_space<vmem>> -> memref<400xi32, #tpu.memory_space<vmem>>
        %dma_start3A_156 = arith.constant 0 : i32
        %dma_start3A_157 = arith.constant 0 : i32
        %dma_start3A_158 = tpu.memref_slice %arg2[%dma_start3A_156, %dma_start3A_157] : memref<2000000x64xf32, #tpu.memory_space<hbm>> -> memref<2000000x64xf32, #tpu.memory_space<hbm>>
        tpu.enqueue_indirect_dma source(%dma_start3A_158 : memref<2000000x64xf32, #tpu.memory_space<hbm>>) target(%arg9 : memref<400x64xf32, #tpu.memory_space<vmem>>) offsets(%dma_start3A_155 : memref<400xi32, #tpu.memory_space<vmem>>) semaphore(%arg12 : memref<!tpu.dma_semaphore, #tpu.memory_space<semaphore_mem>>)
      } else {
      }
    }
    %scan3A_18 = arith.constant 21 : i32
    %dma_wait3A = arith.constant 0 : i32
    %dma_wait3A_19 = arith.constant 0 : i32
    %dma_wait3A_20 = tpu.memref_slice %arg2[%dma_wait3A, %dma_wait3A_19] : memref<2000000x64xf32, #tpu.memory_space<hbm>> -> memref<400x64xf32, #tpu.memory_space<hbm>>
    %dma_wait3A_21 = arith.constant 0 : i32
    %dma_wait3A_22 = arith.constant 0 : i32
    %dma_wait3A_23 = tpu.memref_slice %arg2[%dma_wait3A_21, %dma_wait3A_22] : memref<2000000x64xf32, #tpu.memory_space<hbm>> -> memref<400x64xf32, #tpu.memory_space<hbm>>
    tpu.wait_dma2 semaphore(%arg11 : memref<!tpu.dma_semaphore, #tpu.memory_space<semaphore_mem>>) src(%dma_wait3A_23 : memref<400x64xf32, #tpu.memory_space<hbm>>) dst(%arg8 : memref<400x64xf32, #tpu.memory_space<vmem>>)
    %scan3A_24 = arith.constant 0 : i32
    %scan3A_25 = arith.constant 0 : i32
    %scan3A_26 = arith.constant 200 : i32
    %scan3A_27 = arith.addi %scan3A_25, %scan3A_26 : i32
    %scan3A_28 = arith.constant 2 : i32
    scf.for %scan3A_55 = %scan3A_25 to %scan3A_27 step %scan3A_28  : i32 {
      %get3A = arith.index_cast %scan3A_55 : i32 to index
      %get3A_56 = arith.constant 0 : index
      %get3A_57 = tpu.vector_load %arg7[%get3A, %get3A_56] {strides = array<i32>} : memref<200x64xf32, #tpu.memory_space<vmem>>, vector<1x16xf32>,
      %get3A_58 = vector.shape_cast %get3A_57 : vector<1x16xf32> to vector<16xf32>
      %add3A_59 = arith.constant 0 : i32
      %add3A_60 = arith.addi %add3A_59, %scan3A_55 : i32
      %get3A_61 = arith.index_cast %add3A_60 : i32 to index
      %get3A_62 = arith.constant 0 : index
      %get3A_63 = tpu.vector_load %arg8[%get3A_61, %get3A_62] {strides = array<i32>} : memref<400x64xf32, #tpu.memory_space<vmem>>, vector<1x16xf32>,
      %get3A_64 = vector.shape_cast %get3A_63 : vector<1x16xf32> to vector<16xf32>
      %add3A_65 = arith.addf %get3A_64, %get3A_58 : vector<16xf32>
      %swap3A = arith.index_cast %add3A_60 : i32 to index
      %swap3A_66 = arith.constant 0 : index
      %swap3A_67 = tpu.vector_load %arg8[%swap3A, %swap3A_66] {strides = array<i32>} : memref<400x64xf32, #tpu.memory_space<vmem>>, vector<1x16xf32>,
      %swap3A_68 = vector.shape_cast %swap3A_67 : vector<1x16xf32> to vector<16xf32>
      %swap3A_69 = vector.shape_cast %add3A_65 : vector<16xf32> to vector<1x16xf32>
      tpu.vector_store %arg8[%swap3A, %swap3A_66], %swap3A_69 {strides = array<i32>} : memref<400x64xf32, #tpu.memory_space<vmem>>, vector<1x16xf32>,
      %add3A_70 = arith.constant 200 : i32
      %add3A_71 = arith.addi %add3A_70, %scan3A_55 : i32
      %get3A_72 = arith.index_cast %add3A_71 : i32 to index
      %get3A_73 = arith.constant 0 : index
      %get3A_74 = tpu.vector_load %arg8[%get3A_72, %get3A_73] {strides = array<i32>} : memref<400x64xf32, #tpu.memory_space<vmem>>, vector<1x16xf32>,
      %get3A_75 = vector.shape_cast %get3A_74 : vector<1x16xf32> to vector<16xf32>
      %add3A_76 = arith.addf %get3A_75, %get3A_58 : vector<16xf32>
      %swap3A_77 = arith.index_cast %add3A_71 : i32 to index
      %swap3A_78 = arith.constant 0 : index
      %swap3A_79 = tpu.vector_load %arg8[%swap3A_77, %swap3A_78] {strides = array<i32>} : memref<400x64xf32, #tpu.memory_space<vmem>>, vector<1x16xf32>,
      %swap3A_80 = vector.shape_cast %swap3A_79 : vector<1x16xf32> to vector<16xf32>
      %swap3A_81 = vector.shape_cast %add3A_76 : vector<16xf32> to vector<1x16xf32>
      tpu.vector_store %arg8[%swap3A_77, %swap3A_78], %swap3A_81 {strides = array<i32>} : memref<400x64xf32, #tpu.memory_space<vmem>>, vector<1x16xf32>,
      %get3A_82 = arith.index_cast %scan3A_55 : i32 to index
      %get3A_83 = arith.constant 16 : index
      %get3A_84 = tpu.vector_load %arg7[%get3A_82, %get3A_83] {strides = array<i32>} : memref<200x64xf32, #tpu.memory_space<vmem>>, vector<1x16xf32>,
      %get3A_85 = vector.shape_cast %get3A_84 : vector<1x16xf32> to vector<16xf32>
      %add3A_86 = arith.constant 0 : i32
      %add3A_87 = arith.addi %add3A_86, %scan3A_55 : i32
      %get3A_88 = arith.index_cast %add3A_87 : i32 to index
      %get3A_89 = arith.constant 16 : index
      %get3A_90 = tpu.vector_load %arg8[%get3A_88, %get3A_89] {strides = array<i32>} : memref<400x64xf32, #tpu.memory_space<vmem>>, vector<1x16xf32>,
      %get3A_91 = vector.shape_cast %get3A_90 : vector<1x16xf32> to vector<16xf32>
      %add3A_92 = arith.addf %get3A_91, %get3A_85 : vector<16xf32>
      %swap3A_93 = arith.index_cast %add3A_87 : i32 to index
      %swap3A_94 = arith.constant 16 : index
      %swap3A_95 = tpu.vector_load %arg8[%swap3A_93, %swap3A_94] {strides = array<i32>} : memref<400x64xf32, #tpu.memory_space<vmem>>, vector<1x16xf32>,
      %swap3A_96 = vector.shape_cast %swap3A_95 : vector<1x16xf32> to vector<16xf32>
      %swap3A_97 = vector.shape_cast %add3A_92 : vector<16xf32> to vector<1x16xf32>
      tpu.vector_store %arg8[%swap3A_93, %swap3A_94], %swap3A_97 {strides = array<i32>} : memref<400x64xf32, #tpu.memory_space<vmem>>, vector<1x16xf32>,
      %add3A_98 = arith.constant 200 : i32
      %add3A_99 = arith.addi %add3A_98, %scan3A_55 : i32
      %get3A_100 = arith.index_cast %add3A_99 : i32 to index
      %get3A_101 = arith.constant 16 : index
      %get3A_102 = tpu.vector_load %arg8[%get3A_100, %get3A_101] {strides = array<i32>} : memref<400x64xf32, #tpu.memory_space<vmem>>, vector<1x16xf32>,
      %get3A_103 = vector.shape_cast %get3A_102 : vector<1x16xf32> to vector<16xf32>
      %add3A_104 = arith.addf %get3A_103, %get3A_85 : vector<16xf32>
      %swap3A_105 = arith.index_cast %add3A_99 : i32 to index
      %swap3A_106 = arith.constant 16 : index
      %swap3A_107 = tpu.vector_load %arg8[%swap3A_105, %swap3A_106] {strides = array<i32>} : memref<400x64xf32, #tpu.memory_space<vmem>>, vector<1x16xf32>,
      %swap3A_108 = vector.shape_cast %swap3A_107 : vector<1x16xf32> to vector<16xf32>
      %swap3A_109 = vector.shape_cast %add3A_104 : vector<16xf32> to vector<1x16xf32>
      tpu.vector_store %arg8[%swap3A_105, %swap3A_106], %swap3A_109 {strides = array<i32>} : memref<400x64xf32, #tpu.memory_space<vmem>>, vector<1x16xf32>,
      %get3A_110 = arith.index_cast %scan3A_55 : i32 to index
      %get3A_111 = arith.constant 32 : index
      %get3A_112 = tpu.vector_load %arg7[%get3A_110, %get3A_111] {strides = array<i32>} : memref<200x64xf32, #tpu.memory_space<vmem>>, vector<1x16xf32>,
      %get3A_113 = vector.shape_cast %get3A_112 : vector<1x16xf32> to vector<16xf32>
      %add3A_114 = arith.constant 0 : i32
      %add3A_115 = arith.addi %add3A_114, %scan3A_55 : i32
      %get3A_116 = arith.index_cast %add3A_115 : i32 to index
      %get3A_117 = arith.constant 32 : index
      %get3A_118 = tpu.vector_load %arg8[%get3A_116, %get3A_117] {strides = array<i32>} : memref<400x64xf32, #tpu.memory_space<vmem>>, vector<1x16xf32>,
      %get3A_119 = vector.shape_cast %get3A_118 : vector<1x16xf32> to vector<16xf32>
      %add3A_120 = arith.addf %get3A_119, %get3A_113 : vector<16xf32>
      %swap3A_121 = arith.index_cast %add3A_115 : i32 to index
      %swap3A_122 = arith.constant 32 : index
      %swap3A_123 = tpu.vector_load %arg8[%swap3A_121, %swap3A_122] {strides = array<i32>} : memref<400x64xf32, #tpu.memory_space<vmem>>, vector<1x16xf32>,
      %swap3A_124 = vector.shape_cast %swap3A_123 : vector<1x16xf32> to vector<16xf32>
      %swap3A_125 = vector.shape_cast %add3A_120 : vector<16xf32> to vector<1x16xf32>
      tpu.vector_store %arg8[%swap3A_121, %swap3A_122], %swap3A_125 {strides = array<i32>} : memref<400x64xf32, #tpu.memory_space<vmem>>, vector<1x16xf32>,
      %add3A_126 = arith.constant 200 : i32
      %add3A_127 = arith.addi %add3A_126, %scan3A_55 : i32
      %get3A_128 = arith.index_cast %add3A_127 : i32 to index
      %get3A_129 = arith.constant 32 : index
      %get3A_130 = tpu.vector_load %arg8[%get3A_128, %get3A_129] {strides = array<i32>} : memref<400x64xf32, #tpu.memory_space<vmem>>, vector<1x16xf32>,
      %get3A_131 = vector.shape_cast %get3A_130 : vector<1x16xf32> to vector<16xf32>
      %add3A_132 = arith.addf %get3A_131, %get3A_113 : vector<16xf32>
      %swap3A_133 = arith.index_cast %add3A_127 : i32 to index
      %swap3A_134 = arith.constant 32 : index
      %swap3A_135 = tpu.vector_load %arg8[%swap3A_133, %swap3A_134] {strides = array<i32>} : memref<400x64xf32, #tpu.memory_space<vmem>>, vector<1x16xf32>,
      %swap3A_136 = vector.shape_cast %swap3A_135 : vector<1x16xf32> to vector<16xf32>
      %swap3A_137 = vector.shape_cast %add3A_132 : vector<16xf32> to vector<1x16xf32>
      tpu.vector_store %arg8[%swap3A_133, %swap3A_134], %swap3A_137 {strides = array<i32>} : memref<400x64xf32, #tpu.memory_space<vmem>>, vector<1x16xf32>,
      %get3A_138 = arith.index_cast %scan3A_55 : i32 to index
      %get3A_139 = arith.constant 48 : index
      %get3A_140 = tpu.vector_load %arg7[%get3A_138, %get3A_139] {strides = array<i32>} : memref<200x64xf32, #tpu.memory_space<vmem>>, vector<1x16xf32>,
      %get3A_141 = vector.shape_cast %get3A_140 : vector<1x16xf32> to vector<16xf32>
      %add3A_142 = arith.constant 0 : i32
      %add3A_143 = arith.addi %add3A_142, %scan3A_55 : i32
      %get3A_144 = arith.index_cast %add3A_143 : i32 to index
      %get3A_145 = arith.constant 48 : index
      %get3A_146 = tpu.vector_load %arg8[%get3A_144, %get3A_145] {strides = array<i32>} : memref<400x64xf32, #tpu.memory_space<vmem>>, vector<1x16xf32>,
      %get3A_147 = vector.shape_cast %get3A_146 : vector<1x16xf32> to vector<16xf32>
      %add3A_148 = arith.addf %get3A_147, %get3A_141 : vector<16xf32>
      %swap3A_149 = arith.index_cast %add3A_143 : i32 to index
      %swap3A_150 = arith.constant 48 : index
      %swap3A_151 = tpu.vector_load %arg8[%swap3A_149, %swap3A_150] {strides = array<i32>} : memref<400x64xf32, #tpu.memory_space<vmem>>, vector<1x16xf32>,
      %swap3A_152 = vector.shape_cast %swap3A_151 : vector<1x16xf32> to vector<16xf32>
      %swap3A_153 = vector.shape_cast %add3A_148 : vector<16xf32> to vector<1x16xf32>
      tpu.vector_store %arg8[%swap3A_149, %swap3A_150], %swap3A_153 {strides = array<i32>} : memref<400x64xf32, #tpu.memory_space<vmem>>, vector<1x16xf32>,
      %add3A_154 = arith.constant 200 : i32
      %add3A_155 = arith.addi %add3A_154, %scan3A_55 : i32
      %get3A_156 = arith.index_cast %add3A_155 : i32 to index
      %get3A_157 = arith.constant 48 : index
      %get3A_158 = tpu.vector_load %arg8[%get3A_156, %get3A_157] {strides = array<i32>} : memref<400x64xf32, #tpu.memory_space<vmem>>, vector<1x16xf32>,
      %get3A_159 = vector.shape_cast %get3A_158 : vector<1x16xf32> to vector<16xf32>
      %add3A_160 = arith.addf %get3A_159, %get3A_141 : vector<16xf32>
      %swap3A_161 = arith.index_cast %add3A_155 : i32 to index
      %swap3A_162 = arith.constant 48 : index
      %swap3A_163 = tpu.vector_load %arg8[%swap3A_161, %swap3A_162] {strides = array<i32>} : memref<400x64xf32, #tpu.memory_space<vmem>>, vector<1x16xf32>,
      %swap3A_164 = vector.shape_cast %swap3A_163 : vector<1x16xf32> to vector<16xf32>
      %swap3A_165 = vector.shape_cast %add3A_160 : vector<16xf32> to vector<1x16xf32>
      tpu.vector_store %arg8[%swap3A_161, %swap3A_162], %swap3A_165 {strides = array<i32>} : memref<400x64xf32, #tpu.memory_space<vmem>>, vector<1x16xf32>,
      %scan3A_166 = arith.constant 1 : i32
      %scan3A_167 = arith.addi %scan3A_55, %scan3A_166 : i32
      %get3A_168 = arith.index_cast %scan3A_167 : i32 to index
      %get3A_169 = arith.constant 0 : index
      %get3A_170 = tpu.vector_load %arg7[%get3A_168, %get3A_169] {strides = array<i32>} : memref<200x64xf32, #tpu.memory_space<vmem>>, vector<1x16xf32>,
      %get3A_171 = vector.shape_cast %get3A_170 : vector<1x16xf32> to vector<16xf32>
      %add3A_172 = arith.constant 0 : i32
      %add3A_173 = arith.addi %add3A_172, %scan3A_167 : i32
      %get3A_174 = arith.index_cast %add3A_173 : i32 to index
      %get3A_175 = arith.constant 0 : index
      %get3A_176 = tpu.vector_load %arg8[%get3A_174, %get3A_175] {strides = array<i32>} : memref<400x64xf32, #tpu.memory_space<vmem>>, vector<1x16xf32>,
      %get3A_177 = vector.shape_cast %get3A_176 : vector<1x16xf32> to vector<16xf32>
      %add3A_178 = arith.addf %get3A_177, %get3A_171 : vector<16xf32>
      %swap3A_179 = arith.index_cast %add3A_173 : i32 to index
      %swap3A_180 = arith.constant 0 : index
      %swap3A_181 = tpu.vector_load %arg8[%swap3A_179, %swap3A_180] {strides = array<i32>} : memref<400x64xf32, #tpu.memory_space<vmem>>, vector<1x16xf32>,
      %swap3A_182 = vector.shape_cast %swap3A_181 : vector<1x16xf32> to vector<16xf32>
      %swap3A_183 = vector.shape_cast %add3A_178 : vector<16xf32> to vector<1x16xf32>
      tpu.vector_store %arg8[%swap3A_179, %swap3A_180], %swap3A_183 {strides = array<i32>} : memref<400x64xf32, #tpu.memory_space<vmem>>, vector<1x16xf32>,
      %add3A_184 = arith.constant 200 : i32
      %add3A_185 = arith.addi %add3A_184, %scan3A_167 : i32
      %get3A_186 = arith.index_cast %add3A_185 : i32 to index
      %get3A_187 = arith.constant 0 : index
      %get3A_188 = tpu.vector_load %arg8[%get3A_186, %get3A_187] {strides = array<i32>} : memref<400x64xf32, #tpu.memory_space<vmem>>, vector<1x16xf32>,
      %get3A_189 = vector.shape_cast %get3A_188 : vector<1x16xf32> to vector<16xf32>
      %add3A_190 = arith.addf %get3A_189, %get3A_171 : vector<16xf32>
      %swap3A_191 = arith.index_cast %add3A_185 : i32 to index
      %swap3A_192 = arith.constant 0 : index
      %swap3A_193 = tpu.vector_load %arg8[%swap3A_191, %swap3A_192] {strides = array<i32>} : memref<400x64xf32, #tpu.memory_space<vmem>>, vector<1x16xf32>,
      %swap3A_194 = vector.shape_cast %swap3A_193 : vector<1x16xf32> to vector<16xf32>
      %swap3A_195 = vector.shape_cast %add3A_190 : vector<16xf32> to vector<1x16xf32>
      tpu.vector_store %arg8[%swap3A_191, %swap3A_192], %swap3A_195 {strides = array<i32>} : memref<400x64xf32, #tpu.memory_space<vmem>>, vector<1x16xf32>,
      %get3A_196 = arith.index_cast %scan3A_167 : i32 to index
      %get3A_197 = arith.constant 16 : index
      %get3A_198 = tpu.vector_load %arg7[%get3A_196, %get3A_197] {strides = array<i32>} : memref<200x64xf32, #tpu.memory_space<vmem>>, vector<1x16xf32>,
      %get3A_199 = vector.shape_cast %get3A_198 : vector<1x16xf32> to vector<16xf32>
      %add3A_200 = arith.constant 0 : i32
      %add3A_201 = arith.addi %add3A_200, %scan3A_167 : i32
      %get3A_202 = arith.index_cast %add3A_201 : i32 to index
      %get3A_203 = arith.constant 16 : index
      %get3A_204 = tpu.vector_load %arg8[%get3A_202, %get3A_203] {strides = array<i32>} : memref<400x64xf32, #tpu.memory_space<vmem>>, vector<1x16xf32>,
      %get3A_205 = vector.shape_cast %get3A_204 : vector<1x16xf32> to vector<16xf32>
      %add3A_206 = arith.addf %get3A_205, %get3A_199 : vector<16xf32>
      %swap3A_207 = arith.index_cast %add3A_201 : i32 to index
      %swap3A_208 = arith.constant 16 : index
      %swap3A_209 = tpu.vector_load %arg8[%swap3A_207, %swap3A_208] {strides = array<i32>} : memref<400x64xf32, #tpu.memory_space<vmem>>, vector<1x16xf32>,
      %swap3A_210 = vector.shape_cast %swap3A_209 : vector<1x16xf32> to vector<16xf32>
      %swap3A_211 = vector.shape_cast %add3A_206 : vector<16xf32> to vector<1x16xf32>
      tpu.vector_store %arg8[%swap3A_207, %swap3A_208], %swap3A_211 {strides = array<i32>} : memref<400x64xf32, #tpu.memory_space<vmem>>, vector<1x16xf32>,
      %add3A_212 = arith.constant 200 : i32
      %add3A_213 = arith.addi %add3A_212, %scan3A_167 : i32
      %get3A_214 = arith.index_cast %add3A_213 : i32 to index
      %get3A_215 = arith.constant 16 : index
      %get3A_216 = tpu.vector_load %arg8[%get3A_214, %get3A_215] {strides = array<i32>} : memref<400x64xf32, #tpu.memory_space<vmem>>, vector<1x16xf32>,
      %get3A_217 = vector.shape_cast %get3A_216 : vector<1x16xf32> to vector<16xf32>
      %add3A_218 = arith.addf %get3A_217, %get3A_199 : vector<16xf32>
      %swap3A_219 = arith.index_cast %add3A_213 : i32 to index
      %swap3A_220 = arith.constant 16 : index
      %swap3A_221 = tpu.vector_load %arg8[%swap3A_219, %swap3A_220] {strides = array<i32>} : memref<400x64xf32, #tpu.memory_space<vmem>>, vector<1x16xf32>,
      %swap3A_222 = vector.shape_cast %swap3A_221 : vector<1x16xf32> to vector<16xf32>
      %swap3A_223 = vector.shape_cast %add3A_218 : vector<16xf32> to vector<1x16xf32>
      tpu.vector_store %arg8[%swap3A_219, %swap3A_220], %swap3A_223 {strides = array<i32>} : memref<400x64xf32, #tpu.memory_space<vmem>>, vector<1x16xf32>,
      %get3A_224 = arith.index_cast %scan3A_167 : i32 to index
      %get3A_225 = arith.constant 32 : index
      %get3A_226 = tpu.vector_load %arg7[%get3A_224, %get3A_225] {strides = array<i32>} : memref<200x64xf32, #tpu.memory_space<vmem>>, vector<1x16xf32>,
      %get3A_227 = vector.shape_cast %get3A_226 : vector<1x16xf32> to vector<16xf32>
      %add3A_228 = arith.constant 0 : i32
      %add3A_229 = arith.addi %add3A_228, %scan3A_167 : i32
      %get3A_230 = arith.index_cast %add3A_229 : i32 to index
      %get3A_231 = arith.constant 32 : index
      %get3A_232 = tpu.vector_load %arg8[%get3A_230, %get3A_231] {strides = array<i32>} : memref<400x64xf32, #tpu.memory_space<vmem>>, vector<1x16xf32>,
      %get3A_233 = vector.shape_cast %get3A_232 : vector<1x16xf32> to vector<16xf32>
      %add3A_234 = arith.addf %get3A_233, %get3A_227 : vector<16xf32>
      %swap3A_235 = arith.index_cast %add3A_229 : i32 to index
      %swap3A_236 = arith.constant 32 : index
      %swap3A_237 = tpu.vector_load %arg8[%swap3A_235, %swap3A_236] {strides = array<i32>} : memref<400x64xf32, #tpu.memory_space<vmem>>, vector<1x16xf32>,
      %swap3A_238 = vector.shape_cast %swap3A_237 : vector<1x16xf32> to vector<16xf32>
      %swap3A_239 = vector.shape_cast %add3A_234 : vector<16xf32> to vector<1x16xf32>
      tpu.vector_store %arg8[%swap3A_235, %swap3A_236], %swap3A_239 {strides = array<i32>} : memref<400x64xf32, #tpu.memory_space<vmem>>, vector<1x16xf32>,
      %add3A_240 = arith.constant 200 : i32
      %add3A_241 = arith.addi %add3A_240, %scan3A_167 : i32
      %get3A_242 = arith.index_cast %add3A_241 : i32 to index
      %get3A_243 = arith.constant 32 : index
      %get3A_244 = tpu.vector_load %arg8[%get3A_242, %get3A_243] {strides = array<i32>} : memref<400x64xf32, #tpu.memory_space<vmem>>, vector<1x16xf32>,
      %get3A_245 = vector.shape_cast %get3A_244 : vector<1x16xf32> to vector<16xf32>
      %add3A_246 = arith.addf %get3A_245, %get3A_227 : vector<16xf32>
      %swap3A_247 = arith.index_cast %add3A_241 : i32 to index
      %swap3A_248 = arith.constant 32 : index
      %swap3A_249 = tpu.vector_load %arg8[%swap3A_247, %swap3A_248] {strides = array<i32>} : memref<400x64xf32, #tpu.memory_space<vmem>>, vector<1x16xf32>,
      %swap3A_250 = vector.shape_cast %swap3A_249 : vector<1x16xf32> to vector<16xf32>
      %swap3A_251 = vector.shape_cast %add3A_246 : vector<16xf32> to vector<1x16xf32>
      tpu.vector_store %arg8[%swap3A_247, %swap3A_248], %swap3A_251 {strides = array<i32>} : memref<400x64xf32, #tpu.memory_space<vmem>>, vector<1x16xf32>,
      %get3A_252 = arith.index_cast %scan3A_167 : i32 to index
      %get3A_253 = arith.constant 48 : index
      %get3A_254 = tpu.vector_load %arg7[%get3A_252, %get3A_253] {strides = array<i32>} : memref<200x64xf32, #tpu.memory_space<vmem>>, vector<1x16xf32>,
      %get3A_255 = vector.shape_cast %get3A_254 : vector<1x16xf32> to vector<16xf32>
      %add3A_256 = arith.constant 0 : i32
      %add3A_257 = arith.addi %add3A_256, %scan3A_167 : i32
      %get3A_258 = arith.index_cast %add3A_257 : i32 to index
      %get3A_259 = arith.constant 48 : index
      %get3A_260 = tpu.vector_load %arg8[%get3A_258, %get3A_259] {strides = array<i32>} : memref<400x64xf32, #tpu.memory_space<vmem>>, vector<1x16xf32>,
      %get3A_261 = vector.shape_cast %get3A_260 : vector<1x16xf32> to vector<16xf32>
      %add3A_262 = arith.addf %get3A_261, %get3A_255 : vector<16xf32>
      %swap3A_263 = arith.index_cast %add3A_257 : i32 to index
      %swap3A_264 = arith.constant 48 : index
      %swap3A_265 = tpu.vector_load %arg8[%swap3A_263, %swap3A_264] {strides = array<i32>} : memref<400x64xf32, #tpu.memory_space<vmem>>, vector<1x16xf32>,
      %swap3A_266 = vector.shape_cast %swap3A_265 : vector<1x16xf32> to vector<16xf32>
      %swap3A_267 = vector.shape_cast %add3A_262 : vector<16xf32> to vector<1x16xf32>
      tpu.vector_store %arg8[%swap3A_263, %swap3A_264], %swap3A_267 {strides = array<i32>} : memref<400x64xf32, #tpu.memory_space<vmem>>, vector<1x16xf32>,
      %add3A_268 = arith.constant 200 : i32
      %add3A_269 = arith.addi %add3A_268, %scan3A_167 : i32
      %get3A_270 = arith.index_cast %add3A_269 : i32 to index
      %get3A_271 = arith.constant 48 : index
      %get3A_272 = tpu.vector_load %arg8[%get3A_270, %get3A_271] {strides = array<i32>} : memref<400x64xf32, #tpu.memory_space<vmem>>, vector<1x16xf32>,
      %get3A_273 = vector.shape_cast %get3A_272 : vector<1x16xf32> to vector<16xf32>
      %add3A_274 = arith.addf %get3A_273, %get3A_255 : vector<16xf32>
      %swap3A_275 = arith.index_cast %add3A_269 : i32 to index
      %swap3A_276 = arith.constant 48 : index
      %swap3A_277 = tpu.vector_load %arg8[%swap3A_275, %swap3A_276] {strides = array<i32>} : memref<400x64xf32, #tpu.memory_space<vmem>>, vector<1x16xf32>,
      %swap3A_278 = vector.shape_cast %swap3A_277 : vector<1x16xf32> to vector<16xf32>
      %swap3A_279 = vector.shape_cast %add3A_274 : vector<16xf32> to vector<1x16xf32>
      tpu.vector_store %arg8[%swap3A_275, %swap3A_276], %swap3A_279 {strides = array<i32>} : memref<400x64xf32, #tpu.memory_space<vmem>>, vector<1x16xf32>,
    }
    %scan3A_29 = arith.constant 200 : i32
    %add3A_30 = arith.constant 25200 : i32
    %add3A_31 = arith.addi %multiple_of3A, %add3A_30 : i32
    %multiple_of3A_32 = tpu.assume_multiple %add3A_31, 400 : i32
    %dma_start3A_33 = arith.constant 0 : i32
    %dma_start3A_34 = tpu.memref_slice %arg5[%multiple_of3A_32, %dma_start3A_33] : memref<819200x128xf32, #tpu.memory_space<hbm>> -> memref<400x64xf32, #tpu.memory_space<hbm>>
    %dma_start3A_35 = arith.constant 0 : i32
    %dma_start3A_36 = tpu.memref_slice %arg5[%multiple_of3A_32, %dma_start3A_35] : memref<819200x128xf32, #tpu.memory_space<hbm>> -> memref<400x64xf32, #tpu.memory_space<hbm>>
    tpu.enqueue_dma source(%arg8 : memref<400x64xf32, #tpu.memory_space<vmem>>) target(%dma_start3A_36 : memref<400x64xf32, #tpu.memory_space<hbm>>) target_semaphore(%arg14 : memref<!tpu.dma_semaphore, #tpu.memory_space<semaphore_mem>>)
    %dma_wait3A_37 = arith.constant 0 : i32
    %dma_wait3A_38 = arith.constant 0 : i32
    %dma_wait3A_39 = tpu.memref_slice %arg5[%dma_wait3A_37, %dma_wait3A_38] : memref<819200x128xf32, #tpu.memory_space<hbm>> -> memref<400x64xf32, #tpu.memory_space<hbm>>
    %dma_wait3A_40 = arith.constant 0 : i32
    %dma_wait3A_41 = arith.constant 0 : i32
    %dma_wait3A_42 = tpu.memref_slice %arg5[%dma_wait3A_40, %dma_wait3A_41] : memref<819200x128xf32, #tpu.memory_space<hbm>> -> memref<400x64xf32, #tpu.memory_space<hbm>>
    tpu.wait_dma2 semaphore(%arg14 : memref<!tpu.dma_semaphore, #tpu.memory_space<semaphore_mem>>) src(%arg8 : memref<400x64xf32, #tpu.memory_space<vmem>>) dst(%dma_wait3A_42 : memref<400x64xf32, #tpu.memory_space<hbm>>)
    %dma_wait3A_43 = arith.constant 0 : i32
    %dma_wait3A_44 = arith.constant 0 : i32
    %dma_wait3A_45 = tpu.memref_slice %arg5[%dma_wait3A_43, %dma_wait3A_44] : memref<819200x128xf32, #tpu.memory_space<hbm>> -> memref<400x64xf32, #tpu.memory_space<hbm>>
    %dma_wait3A_46 = arith.constant 0 : i32
    %dma_wait3A_47 = arith.constant 0 : i32
    %dma_wait3A_48 = tpu.memref_slice %arg5[%dma_wait3A_46, %dma_wait3A_47] : memref<819200x128xf32, #tpu.memory_space<hbm>> -> memref<400x64xf32, #tpu.memory_space<hbm>>
    tpu.wait_dma2 semaphore(%arg15 : memref<!tpu.dma_semaphore, #tpu.memory_space<semaphore_mem>>) src(%arg9 : memref<400x64xf32, #tpu.memory_space<vmem>>) dst(%dma_wait3A_48 : memref<400x64xf32, #tpu.memory_space<hbm>>)
    %dma_wait3A_49 = arith.constant 0 : i32
    %dma_wait3A_50 = arith.constant 0 : i32
    %dma_wait3A_51 = tpu.memref_slice %arg5[%dma_wait3A_49, %dma_wait3A_50] : memref<819200x128xf32, #tpu.memory_space<hbm>> -> memref<400x64xf32, #tpu.memory_space<hbm>>
    %dma_wait3A_52 = arith.constant 0 : i32
    %dma_wait3A_53 = arith.constant 0 : i32
    %dma_wait3A_54 = tpu.memref_slice %arg5[%dma_wait3A_52, %dma_wait3A_53] : memref<819200x128xf32, #tpu.memory_space<hbm>> -> memref<400x64xf32, #tpu.memory_space<hbm>>
    tpu.wait_dma2 semaphore(%arg16 : memref<!tpu.dma_semaphore, #tpu.memory_space<semaphore_mem>>) src(%arg10 : memref<400x64xf32, #tpu.memory_space<vmem>>) dst(%dma_wait3A_54 : memref<400x64xf32, #tpu.memory_space<hbm>>)
    return
  }
}

module attributes {stable_mosaic.version = 14 : i64} {
  func.func @_tpad_body(%arg0: i32, %arg1: memref<64x16384xf32, #tpu.memory_space<vmem>>, %arg2: memref<16384x128xf32, #tpu.memory_space<vmem>>) attributes {dimension_semantics = [#tpu.dimension_semantics<arbitrary>], iteration_bounds = array<i64: 62>, scalar_prefetch = 0 : i64, scratch_operands = 0 : i64, tpu.core_type = #tpu.core_type<tc>, window_params = [{transform_indices = @transform_0, window_bounds = array<i64: 64, 16384>}, {transform_indices = @transform_1, window_bounds = array<i64: 16384, 128>}]} {
    %get3A = arith.constant 0 : index
    %get3A_0 = arith.constant 0 : index
    %get3A_1 = vector.load %arg1[%get3A, %get3A_0] : memref<64x16384xf32, #tpu.memory_space<vmem>>, vector<64x16384xf32>
    %transpose3A = tpu.transpose %get3A_1, [1, 0] : vector<64x16384xf32> -> vector<16384x64xf32>
    %concatenate3A = tpu.concatenate %transpose3A, %transpose3A in 1 : vector<16384x64xf32>, vector<16384x64xf32> -> vector<16384x128xf32>
    %swap3A = arith.constant 0 : index
    %swap3A_2 = arith.constant 0 : index
    %swap3A_3 = vector.load %arg2[%swap3A, %swap3A_2] : memref<16384x128xf32, #tpu.memory_space<vmem>>, vector<16384x128xf32>
    tpu.vector_store %arg2[%swap3A, %swap3A_2], %concatenate3A {strides = array<i32>} : memref<16384x128xf32, #tpu.memory_space<vmem>>, vector<16384x128xf32>,
    return
  }
  func.func @transform_0(%arg0: i32) -> (i32, i32) {
    %c0_i32 = arith.constant 0 : i32
    %c0_i32_0 = arith.constant 0 : i32
    return %c0_i32, %arg0 : i32, i32
  }
  func.func @transform_1(%arg0: i32) -> (i32, i32) {
    %c0_i32 = arith.constant 0 : i32
    %c0_i32_0 = arith.constant 0 : i32
    return %arg0, %c0_i32 : i32, i32
  }
}

</mosaic_0001>

<sc_bundles>
// kernel: kernel.4.cloned.1.call-start
scs
__scs_entry_jumppad:
0x0: {  	(pc) =	sbr.rel $0x88, $3  }
0x1: {  	(tag) =	ssettag $0x0;
	lr =	simm.s32 $0x1  }
0x2: {  	[smem:$0x3F9E] =	sst lr;
	_ =	strace $0xD0000000  }
0x3: {  	_ = 	snop  }
0x4: {  	_ = 	snop  }
0x5: {  	_ = 	snop  }
0x6: {  	_ = 	snop  }
0x7: {  	_ = 	snop  }
__scs_overlays_trampoline_lowered:
0x8: {  	[smem:$0x3FAD] =	sst s0  }
0x9: {  	[smem:$0x3FAE] =	sst s1  }
0xa: {  	[smem:$0x3FAF] =	sst s2  }
0xb: {  	[smem:$0x3FB0] =	sst s3  }
0xc: {  	[smem:$0x3FB1] =	sst s4  }
0xd: {  	[smem:$0x3FB2] =	sst s5  }
0xe: {  	[smem:$0x3FB3] =	sst s6  }
0xf: {  	[smem:$0x3FB4] =	sst s7  }
0x10: {  	[smem:$0x3FB5] =	sst s8  }
0x11: {  	[smem:$0x3FB6] =	sst s9;
	s0 =	simm.s32 @!p0 $0x0  }
0x12: {  	s1 =	sld [smem:$0x3F9C];
	s0 =	simm.s32 @p0 $0x1  }
0x13: {  	[smem:$0x3FB7] =	sst s0;
	s0 =	simm.s32 @!p1 $0x0  }
0x14: {  	s2 =	sld [smem:$0x3F9B];
	s0 =	simm.s32 @p1 $0x1  }
0x15: {  	[smem:$0x3FB8] =	sst s0;
	s0 =	simm.s32 @!p2 $0x0  }
0x16: {  	s3 =	sld [smem:$0x3FDB];
	s0 =	simm.s32 @p2 $0x1  }
0x17: {  	s4 =	simm.s32 $0x1BF5;
	[smem:$0x3FBA] =	sst s0  }
0x18: {  	s0 =	sld [smem:$0x3F9D];
	_ =	swait.ge [sflag:s4], $0x0  }
0x19: {  	s7 =	sld [smem:$0x3F9E]  }
0x1a: {  	s8 =	sadd.s32 $0xFFFFE003, lr  }
0x1b: {  	s9 =	sadd.s32 $0xFFFFFEF7, lr;
	s5 =	simm.s32 $0xFFFFFFFF;
	p2 =	slt.u32 s8, $0xFFFFF086  }
0x1c: {  	p1 =	slt.u32 s9, $0xF7A;
	s5 =	simm.s32 @!p2 $0x0  }
0x1d: {  	s5 =	simm.s32 @p1 $0x1;
	p0 =	seq.s32 s7, s2  }
0x1e: {  	s7 =	smul.u32 @!p0 $0xF7A, s2;
	p2 =	seq.s32 @!p0 s5, $0x0  }
0x1f: {  	s9 =	smul.u32 $0xF7A, s1;
	s8 =	simm.s32 @!p0 $0x1BF5;
	p2 =	por !p2, p0  }
0x20: {  	[sflag:s8] =	ssyncset.s32 @!p0 $0xFFFFF086;
	s6 =	sadd.s32 @!p0 s3, s7;
	s7 =	simm.s32 @!p0 $0x108  }
0x21: {  	s3 =	sadd.s32 s3, s9;
	s6 =	sadd.s32 @!p0 $0x88, s6;
	s7 =	simm.s32 @p2 $0x1082  }
0x22: {  	[simem:s7], [sflag:s8] =	dma.local @!p0 [hbm:s6], $0xF7A  }
0x23: {  	s9 =	sor.u32 $0xD0000000, s2;
	s6 =	simm.s32 $0x108;
	_ =	swait.ge @!p0 [sflag:s8], $0x0  }
0x24: {  	s3 =	sadd.s32 $0x88, s3;
	s6 =	simm.s32 @!p1 $0x1082;
	[sflag:s4] =	ssyncset.s32 $0xFFFFF086  }
0x25: {  	[simem:s6], [sflag:s4] =	dma.local [hbm:s3], $0xF7A  }
0x26: {  	[smem:$0x3F9E] =	sst s1;
	(tag) =	ssettag s2;
	_ =	strace s9  }
0x27: {  	s1 =	sld [smem:$0x3FAE]  }
0x28: {  	s2 =	sld [smem:$0x3FAF]  }
0x29: {  	s4 =	sld [smem:$0x3FB1]  }
0x2a: {  	p0 =	seq.s32 s5, $0x0;
	s5 =	sld [smem:$0x3FB2]  }
0x2b: {  	s6 =	sld [smem:$0x3FB3]  }
0x2c: {  	s7 =	sld [smem:$0x3FB4]  }
0x2d: {  	s3 =	simm.s32 $0x108;
	s8 =	sld [smem:$0x3FB5]  }
0x2e: {  	s3 =	simm.s32 @!p0 $0x1082;
	s9 =	sld [smem:$0x3FB6]  }
0x2f: {  	lr =	sadd.s32 s0, s3;
	s0 =	sld [smem:$0x3FAD]  }
0x30: {  	s3 =	sld [smem:$0x3FB0]  }
0x31: {  	[smem:$0x3FB9] =	sst s10  }
0x32: {  	s10 =	sld [smem:$0x3FB7];
	_ =	sdelay $0x3  }
0x33: {  	p0 =	seq.s32 s10, $0x1;
	s10 =	sld [smem:$0x3FB9];
	_ =	sdelay $0x3  }
0x34: {  	[smem:$0x3FB9] =	sst s10  }
0x35: {  	s10 =	sld [smem:$0x3FB8];
	_ =	sdelay $0x3  }
0x36: {  	p1 =	seq.s32 s10, $0x1;
	s10 =	sld [smem:$0x3FB9];
	_ =	sdelay $0x3  }
0x37: {  	[smem:$0x3FB9] =	sst s10  }
0x38: {  	s10 =	sld [smem:$0x3FBA]  }
0x39: {  	_ = 	snop;
	(pc) =	sbr.ind lr, $3  }
0x3a: {  	_ = 	snop  }
0x3b: {  	_ = 	snop  }
0x3c: {  	p2 =	seq.s32 s10, $0x1;
	s10 =	sld [smem:$0x3FB9]  }
0x3d: {  	_ =	shalt  }
0x3e: {  	_ =	shalt  }
0x3f: {  	_ =	shalt  }
0x40: {  	_ =	shalt  }
0x41: {  	_ =	shalt  }
0x42: {  	_ =	shalt  }
0x43: {  	_ =	shalt  }
0x44: {  	_ =	shalt  }
0x45: {  	_ =	shalt  }
0x46: {  	_ =	shalt  }
0x47: {  	_ =	shalt  }
0x48: {  	_ =	shalt  }
0x49: {  	_ =	shalt  }
0x4a: {  	_ =	shalt  }
0x4b: {  	_ =	shalt  }
0x4c: {  	_ =	shalt  }
0x4d: {  	_ =	shalt  }
0x4e: {  	_ =	shalt  }
0x4f: {  	_ =	shalt  }
0x50: {  	_ =	shalt  }
0x51: {  	_ =	shalt  }
0x52: {  	_ =	shalt  }
0x53: {  	_ =	shalt  }
0x54: {  	_ =	shalt  }
0x55: {  	_ =	shalt  }
0x56: {  	_ =	shalt  }
0x57: {  	_ =	shalt  }
0x58: {  	_ =	shalt  }
0x59: {  	_ =	shalt  }
0x5a: {  	_ =	shalt  }
0x5b: {  	_ =	shalt  }
0x5c: {  	_ =	shalt  }
0x5d: {  	_ =	shalt  }
0x5e: {  	_ =	shalt  }
0x5f: {  	_ =	shalt  }
0x60: {  	_ =	shalt  }
0x61: {  	_ =	shalt  }
0x62: {  	_ =	shalt  }
0x63: {  	_ =	shalt  }
0x64: {  	_ =	shalt  }
0x65: {  	_ =	shalt  }
0x66: {  	_ =	shalt  }
0x67: {  	_ =	shalt  }
0x68: {  	_ =	shalt  }
0x69: {  	_ =	shalt  }
0x6a: {  	_ =	shalt  }
0x6b: {  	_ =	shalt  }
0x6c: {  	_ =	shalt  }
0x6d: {  	_ =	shalt  }
0x6e: {  	_ =	shalt  }
0x6f: {  	_ =	shalt  }
0x70: {  	_ =	shalt  }
0x71: {  	_ =	shalt  }
0x72: {  	_ =	shalt  }
0x73: {  	_ =	shalt  }
0x74: {  	_ =	shalt  }
0x75: {  	_ =	shalt  }
0x76: {  	_ =	shalt  }
0x77: {  	_ =	shalt  }
0x78: {  	_ =	shalt  }
0x79: {  	_ =	shalt  }
0x7a: {  	_ =	shalt  }
0x7b: {  	_ =	shalt  }
0x7c: {  	_ =	shalt  }
0x7d: {  	_ =	shalt  }
0x7e: {  	_ =	shalt  }
0x7f: {  	_ =	shalt  }
0x80: {  	_ =	shalt  }
0x81: {  	_ =	shalt  }
0x82: {  	_ =	shalt  }
0x83: {  	_ =	shalt  }
0x84: {  	_ =	shalt  }
0x85: {  	_ =	shalt  }
0x86: {  	_ =	shalt  }
0x87: {  	_ =	shalt  }
.Lfunc_end0:
.L_simem_size_0:
called_computation.1_lowered:
.L_overlay_start_0:
0x88: {  	s2 =	sld [smem:$0x3FD9]  }
0x89: {  	s3 =	sld [smem:$0x3FFE];
	_ =	sdelay $0x1  }
0x8a: {  	s1 =	srdreg.scid  }
0x8b: {  	s0 =	sand.u32 $0x1, s1  }
0x8c: {  	s17 =	sshll.u32 s0, $0xA;
	s2 =	sadd.s32 s3, s2  }
0x8d: {  	s2 =	sadd.s32 s2, s17  }
0x8e: {  	[smem:$0x3FC5] =	sst s2  }
0x8f: {  	_ = 	snop  }
0x90: {  	s2 =	sld [smem:$0x3FD0];
	(tm) =	ssettm $0x1  }
0x91: {  	s18 =	sld [smem:$0x3FFB];
	_ =	sdelay $0x3  }
0x92: {  	_ =	strace s18  }
0x93: {  	s3 =	sld [smem:$0x3FFC];
	_ =	sdelay $0x3  }
0x94: {  	_ =	strace s3  }
0x95: {  	s3 =	sld [smem:$0x3FFD];
	_ =	sdelay $0x3  }
0x96: {  	_ =	strace s3  }
0x97: {  	_ =	strace $0x8FFFFFFF  }
0x98: {  	s19 =	sld [smem:$0x3FDB];
	_ =	sdelay $0x1  }
0x99: {  	s4 =	simm.s32 $_scs_section_size  }
0x9a: {  	s5 =	simm.s32 $_size__tile_overlayer_lowered;
	s6 =	simm.s32 $_tile_overlayer_lowered  }
0x9b: {  	s22 =	simm.s32 $0x1BFF;
	s21 =	sshll.u32 s6, $0x1;
	s3 =	sadd.s32 s4, s19  }
0x9c: {  	s7 =	simm.s32 $0x0;
	s20 =	sshll.u32 s5, $0x1;
	s5 =	sadd.s32 s21, s3  }
0x9d: {  	[timem:s7], [sflag:s22] =	dma.local [hbm:s5], s20  }
0x9e: {  	_ =	swait.ge [sflag:s22], s20  }
0x9f: {  	s4 =	ssub.s32 $0x0, s20;
	[sflag:s22] =	ssyncset.done $0x0  }
0xa0: {  	[sflag:s22] =	ssyncadd.s32 s4;
	_ =	sdelay $0x1  }
0xa1: {  	s23 =	simm.s32 $0x1B8B  }
0xa2: {  	_ =	swait.ge [sflag:s23], $0x1  }
0xa3: {  	[sflag:s23] =	ssyncset.done $0x0  }
0xa4: {  	s25 =	simm.s32 $0x1B8E;
	s24 =	sld [smem:$0x3FFE];
	[sflag:s23] =	ssyncadd.s32 $0xFFFFFFFF  }
0xa5: {  	s26 =	simm.s32 $execute0_lowered;
	[smem:$0x3FD2] =	sst s25  }
0xa6: {  	s5 =	sshll.u32 s26, $0x1;
	_ =	strace $0x80000046;
	[dreg:$0x1] =	wrdreg $0xFFFFFFFF  }
0xa7: {  	s28 =	simm.s32 $_size_execute0_lowered;
	s3 =	sadd.s32 s3, s5;
	[dreg:$0x0] =	wrdreg $0x0  }
0xa8: {  	s5 =	sshll.u32 s28, $0x1;
	[dreg:$0x2] =	wrdreg s3  }
0xa9: {  	[dreg:$0x3] =	wrdreg s5  }
0xaa: {  	[dreg:$0x4] =	wrdreg $0xC0  }
0xab: {  	_ =	task [dreg:s7], $0x5FFFF  }
0xac: {  	[dreg:$0x1] =	wrdreg $0xFFFFFFFF  }
0xad: {  	[dreg:$0x0] =	wrdreg $0x60  }
0xae: {  	[dreg:$0x2] =	wrdreg s24  }
0xaf: {  	[dreg:$0x3] =	wrdreg s2  }
0xb0: {  	[dreg:$0x4] =	wrdreg $0x9  }
0xb1: {  	_ =	task.clear_ibuf [dreg:s7], $0x5FFFF;
	_ =	strace $0x90000046  }
0xb2: {  	s29 =	simm.s32 $0x9;
	_ =	strace $0x80000048  }
0xb3: {  	_ =	swait.ge [sflag:s29], $0x1  }
0xb4: {  	[sflag:s29] =	ssyncadd.s32 $0xFFFFFFFF  }
0xb5: {  	_ =	strace $0x90000048  }
0xb6: {  	_ =	sfence  }
0xb7: {  	s30 =	sld [smem:$0x0];
	_ =	sdelay $0x2  }
0xb8: {  	s31 =	sshll.u32 s1, $0xD;
	s1 =	sshrl.u32 s1, $0x2  }
0xb9: {  	s3 =	sand.u32 $0x4000, s31;
	s1 =	sadd.s32 s1, s30  }
0xba: {  	s0 =	sor.u32 s3, s0;
	s1 =	sshll.u32 s1, $0x11  }
0xbb: {  	s0 =	sor.u32 s1, s0  }
0xbc: {  	s0 =	sadd.s32 $0x8F2B, s0  }
0xbd: {  	[sflag:s0] =	ssyncadd.remote.s32 $0x1  }
0xbe: {  	_ =	sfence.sel $0xFFFF  }
0xbf: {  	[dreg:$0x0] =	wrdreg $0xFFFFFFFF;
	(pc) =	sbr.abs _section_cstart, $3  }
0xc0: {  	[dreg:$0x1] =	wrdreg $0xFFFFFFFF  }
0xc1: {  	_ =	task.clear_ibuf [dreg:s7], $0x2FFFF;
	_ =	strace $0x9FFFFFFF  }
0xc2: {  	(tm) =	ssettm $0x7FFFFFFF  }
0xc3: {  	_ =	shalt  }
tec
execute0_lowered:
.L_overlay_start_1:
0x0: {  	(tag) =	ssettag $0x1  }
0x1: {  	s0 =	rddreg [dreg:$0x0]  }
0x2: {  	s1 =	rddreg [dreg:$0x1];
	s3 =	srdreg.scid  }
0x3: {  	s4 =	stileid.u32;
	s2 =	simm.s32 $0x0;
	s11 =	simm.s32 $0x6400  }
0x4: {  	s12 =	simm.s32 $0x7;
	s13 =	simm.s32 $0x190;
	s14 =	simm.s32 $0x9600  }
0x5: {  	s15 =	simm.s32 $0xFA00;
	s16 =	simm.s32 $0x1;
	s17 =	simm.s32 $0x40  }
0x6: {  	s18 =	simm.s32 $0x80;
	s19 =	simm.s32 $0x15E00;
	s20 =	simm.s32 $0x2  }
0x7: {  	s21 =	simm.s32 $0x4;
	s22 =	simm.s32 $0x3;
	s23 =	simm.s32 $0x5  }
0x8: {  	s24 =	simm.s32 $0x6;
	s6 =	sand.u32 $0x1, s3;
	s28 =	sshll.u32 s4, $0x1  }
0x9: {  	s25 =	simm.s32 $0x0;
	[smem:$0x7FF] =	sst s2;
	s7 =	sor.u32 s6, s28  }
0xa: {  	s3 =	sadd.s32 $0x1000, s0;
	s8 =	ssub.s32 $0x2, s6;
	s4 =	smul.u32 $0x6400, s7  }
0xb: {  	s5 =	sadd.s32 $0x800, s0;
	s9 =	smul.u32 $0x64000, s7;
	s29 =	sshrl.u32 s8, $0x1  }
0xc: {  	_ =	strace $0x80000047;
	s6 =	sadd.s32 $0xF43400, s0;
	s0 =	ssub.s32 s8, s29  }
0xd: {  	s30 =	sshrl.u32 s4, $0x3;
	s31 =	sadd.s32 s6, s9;
	s8 =	sor.u32 $0x190, s4  }
0xe: {  	s10 =	smax.u32 s0, $0x1;
	s7 =	sadd.s32 s1, s30;
	s9 =	sadd.s32 $0x62700, s31  }
.LBB2_1:
0xf: {  	[tilespmem:s11], [sflag:$0x7] =	stream.linear.gather [hbm4b:s5+s2], $0x3200, $0x38;
	[tilespmem:$0x1C200] =	vst v63  }
0x10: {  	_ =	swait.ge [sflag:s12], $0x3200  }
0x11: {  	[sflag:s12] =	ssyncset.done $0x0  }
0x12: {  	[sflag:s12] =	ssyncadd.s32 $0xFFFFCE00  }
0x13: {  	[tilespmem:s2], [sflag:$0x7] =	stream.linear.gather [hbm4b:s7+s2], $0x6400, $0x38;
	[tilespmem:$0x1C200] =	vst v63  }
0x14: {  	_ =	swait.ge [sflag:s12], $0x6400  }
0x15: {  	[sflag:s12] =	ssyncset.done $0x0  }
0x16: {  	[sflag:s12] =	ssyncadd.s32 $0xFFFF9C00  }
0x17: {  	[tilespmem:s14], [sflag:$0x1] =	stream.indirect.gather [hbm4b:s3+s13], $0x40, s2, s13, $0xb8;
	[tilespmem:$0x1C200] =	vst v63  }
0x18: {  	s26 =	simm.s32 $0x0  }
0x19: {  	[tilespmem:s15], [sflag:$0x2] =	stream.indirect.gather [hbm4b:s3+s13], $0x40, s13, s13, $0xb8;
	[tilespmem:$0x1C200] =	vst v63  }
.LBB2_2:
0x1a: {  	_ =	swait.ge [sflag:s16], $0x6400  }
0x1b: {  	[sflag:s16] =	ssyncset.done $0x0  }
0x1c: {  	s28 =	simm.s32 $0x6440;
	[sflag:s16] =	ssyncadd.s32 $0xFFFF9C00  }
0x1d: {  	s29 =	simm.s32 $0xC870;
	v0 =	vld [tilespmem:s28+$0xFFFFFFC0]  }
0x1e: {  	v1 =	vld [tilespmem:s29+$0xFFFFCD90]  }
0x1f: {  	v2 =	vld [tilespmem:s29+$0xFFFFFF90];
	_ =	sdelay $0x3  }
0x20: {  	v1 =	vadd.f32 v1, v0  }
0x21: {  	v0 =	vadd.f32 v2, v0  }
0x22: {  	[tilespmem:s29+$0xFFFFCD90] =	vst v1  }
0x23: {  	[tilespmem:s29+$0xFFFFFF90] =	vst v0;
	v0 =	vld [tilespmem:s29+$0xFFFFCDA0]  }
0x24: {  	v1 =	vld [tilespmem:s28+$0xFFFFFFD0]  }
0x25: {  	v2 =	vld [tilespmem:s29+$0xFFFFFFA0];
	_ =	sdelay $0x3  }
0x26: {  	v0 =	vadd.f32 v0, v1  }
0x27: {  	v1 =	vadd.f32 v2, v1  }
0x28: {  	[tilespmem:s29+$0xFFFFCDA0] =	vst v0  }
0x29: {  	[tilespmem:s29+$0xFFFFFFA0] =	vst v1;
	v1 =	vld [tilespmem:s29+$0xFFFFCDB0]  }
0x2a: {  	v2 =	vld [tilespmem:s28+$0xFFFFFFE0]  }
0x2b: {  	v0 =	vld [tilespmem:s29+$0xFFFFFFB0];
	_ =	sdelay $0x3  }
0x2c: {  	v1 =	vadd.f32 v1, v2  }
0x2d: {  	v0 =	vadd.f32 v0, v2  }
0x2e: {  	[tilespmem:s29+$0xFFFFCDB0] =	vst v1  }
0x2f: {  	[tilespmem:s29+$0xFFFFFFB0] =	vst v0;
	v0 =	vld [tilespmem:s29+$0xFFFFCDC0]  }
0x30: {  	v2 =	vld [tilespmem:s28+$0xFFFFFFF0]  }
0x31: {  	v1 =	vld [tilespmem:s29+$0xFFFFFFC0];
	_ =	sdelay $0x3  }
0x32: {  	v0 =	vadd.f32 v0, v2  }
0x33: {  	v1 =	vadd.f32 v1, v2  }
0x34: {  	[tilespmem:s29+$0xFFFFCDC0] =	vst v0  }
0x35: {  	[tilespmem:s29+$0xFFFFFFC0] =	vst v1;
	v1 =	vld [tilespmem:s29+$0xFFFFCDD0]  }
0x36: {  	v2 =	vld [tilespmem:s28+$0x0]  }
0x37: {  	v0 =	vld [tilespmem:s29+$0xFFFFFFD0];
	_ =	sdelay $0x3  }
0x38: {  	v1 =	vadd.f32 v1, v2  }
0x39: {  	v0 =	vadd.f32 v0, v2  }
0x3a: {  	[tilespmem:s29+$0xFFFFCDD0] =	vst v1  }
0x3b: {  	[tilespmem:s29+$0xFFFFFFD0] =	vst v0;
	v0 =	vld [tilespmem:s29+$0xFFFFCDE0]  }
0x3c: {  	v2 =	vld [tilespmem:s28+$0x10]  }
0x3d: {  	v1 =	vld [tilespmem:s29+$0xFFFFFFE0];
	_ =	sdelay $0x3  }
0x3e: {  	v0 =	vadd.f32 v0, v2  }
0x3f: {  	v1 =	vadd.f32 v1, v2  }
0x40: {  	[tilespmem:s29+$0xFFFFCDE0] =	vst v0  }
0x41: {  	[tilespmem:s29+$0xFFFFFFE0] =	vst v1;
	v0 =	vld [tilespmem:s29+$0xFFFFCDF0]  }
0x42: {  	v1 =	vld [tilespmem:s28+$0x20]  }
0x43: {  	v2 =	vld [tilespmem:s29+$0xFFFFFFF0];
	_ =	sdelay $0x3  }
0x44: {  	v0 =	vadd.f32 v0, v1  }
0x45: {  	v1 =	vadd.f32 v2, v1  }
0x46: {  	[tilespmem:s29+$0xFFFFCDF0] =	vst v0;
	v0 =	vld [tilespmem:s29+$0xFFFFCE00]  }
0x47: {  	[tilespmem:s29+$0xFFFFFFF0] =	vst v1;
	v1 =	vld [tilespmem:s29+$0x0]  }
0x48: {  	s30 =	simm.s32 $0x0;
	s0 =	simm.s32 $0xC870;
	v2 =	vld [tilespmem:s28+$0x30]  }
.LBB2_3:
0x49: {  	s30 =	sadd.s32 $0x2, s30;
	s29 =	sadd.s32 $0x80, s29;
	s28 =	sadd.s32 $0x80, s28  }
0x4a: {  	p0 =	slt.u32 s30, $0xC6;
	_ =	sdelay $0x2  }
0x4b: {  	v0 =	vadd.f32 v0, v2;
	v1 =	vadd.f32 v1, v2;
	_ =	sdelay $0x1  }
0x4c: {  	[tilespmem:s0+$0xFFFFCE00] =	vst v0  }
0x4d: {  	v0 =	vld [tilespmem:s29+$0xFFFFFF90];
	[tilespmem:s0+$0x0] =	vst v1;
	s0 =	smov.u32 s29  }
0x4e: {  	v1 =	vld [tilespmem:s28+$0xFFFFFFC0]  }
0x4f: {  	v2 =	vld [tilespmem:s29+$0xFFFFCD90];
	_ =	sdelay $0x3  }
0x50: {  	v0 =	vadd.f32 v0, v1  }
0x51: {  	v1 =	vadd.f32 v2, v1  }
0x52: {  	[tilespmem:s29+$0xFFFFFF90] =	vst v0;
	v0 =	vld [tilespmem:s29+$0xFFFFFFA0]  }
0x53: {  	[tilespmem:s29+$0xFFFFCD90] =	vst v1;
	v1 =	vld [tilespmem:s29+$0xFFFFCDA0]  }
0x54: {  	v2 =	vld [tilespmem:s28+$0xFFFFFFD0];
	_ =	sdelay $0x4  }
0x55: {  	v1 =	vadd.f32 v1, v2;
	v0 =	vadd.f32 v0, v2;
	_ =	sdelay $0x1  }
0x56: {  	[tilespmem:s29+$0xFFFFCDA0] =	vst v1;
	v1 =	vld [tilespmem:s29+$0xFFFFFFB0]  }
0x57: {  	[tilespmem:s29+$0xFFFFFFA0] =	vst v0;
	v0 =	vld [tilespmem:s29+$0xFFFFCDB0]  }
0x58: {  	v2 =	vld [tilespmem:s28+$0xFFFFFFE0];
	_ =	sdelay $0x4  }
0x59: {  	v0 =	vadd.f32 v0, v2;
	v1 =	vadd.f32 v1, v2;
	_ =	sdelay $0x1  }
0x5a: {  	[tilespmem:s29+$0xFFFFCDB0] =	vst v0;
	v0 =	vld [tilespmem:s29+$0xFFFFFFC0]  }
0x5b: {  	[tilespmem:s29+$0xFFFFFFB0] =	vst v1;
	v1 =	vld [tilespmem:s29+$0xFFFFCDC0]  }
0x5c: {  	v2 =	vld [tilespmem:s28+$0xFFFFFFF0];
	_ =	sdelay $0x4  }
0x5d: {  	v1 =	vadd.f32 v1, v2;
	v0 =	vadd.f32 v0, v2;
	_ =	sdelay $0x1  }
0x5e: {  	[tilespmem:s29+$0xFFFFCDC0] =	vst v1;
	v1 =	vld [tilespmem:s29+$0xFFFFFFD0]  }
0x5f: {  	[tilespmem:s29+$0xFFFFFFC0] =	vst v0;
	v0 =	vld [tilespmem:s29+$0xFFFFCDD0]  }
0x60: {  	v2 =	vld [tilespmem:s28+$0x0];
	_ =	sdelay $0x4  }
0x61: {  	v0 =	vadd.f32 v0, v2;
	v1 =	vadd.f32 v1, v2;
	_ =	sdelay $0x1  }
0x62: {  	[tilespmem:s29+$0xFFFFCDD0] =	vst v0;
	v0 =	vld [tilespmem:s29+$0xFFFFFFE0]  }
0x63: {  	[tilespmem:s29+$0xFFFFFFD0] =	vst v1;
	v1 =	vld [tilespmem:s29+$0xFFFFCDE0]  }
0x64: {  	v2 =	vld [tilespmem:s28+$0x10];
	_ =	sdelay $0x3  }
0x65: {  	v3 =	vld [tilespmem:s29+$0xFFFFFFF0]  }
0x66: {  	v1 =	vadd.f32 v1, v2;
	v0 =	vadd.f32 v0, v2;
	_ =	sdelay $0x1  }
0x67: {  	[tilespmem:s29+$0xFFFFCDE0] =	vst v1  }
0x68: {  	[tilespmem:s29+$0xFFFFFFE0] =	vst v0;
	v0 =	vld [tilespmem:s29+$0xFFFFCDF0]  }
0x69: {  	v1 =	vld [tilespmem:s28+$0x20];
	_ =	sdelay $0x4  }
.Ltmp0:
0x6a: {  	v0 =	vadd.f32 v0, v1;
	v1 =	vadd.f32 v3, v1;
	(pc) =	sbr.rel @p0 .LBB2_3-.Ltmp0, $4  }
0x6b: {  	_ = 	snop  }
0x6c: {  	[tilespmem:s29+$0xFFFFCDF0] =	vst v0;
	v0 =	vld [tilespmem:s29+$0xFFFFCE00]  }
0x6d: {  	[tilespmem:s29+$0xFFFFFFF0] =	vst v1;
	v1 =	vld [tilespmem:s29+$0x0]  }
0x6e: {  	v2 =	vld [tilespmem:s28+$0x30]  }
0x6f: {  	_ =	sdelay $0x2  }
0x70: {  	s29 =	smul.u32 $0x4B0, s26  }
0x71: {  	v0 =	vadd.f32 v0, v2  }
0x72: {  	s1 =	sadd.s32 s4, s29;
	v1 =	vadd.f32 v1, v2  }
0x73: {  	s1 =	sshll.u32 s1, $0x4;
	[tilespmem:s0+$0xFFFFCE00] =	vst v0  }
0x74: {  	p0 =	seq.s32 s26, $0x0;
	s1 =	sadd.s32 s6, s1;
	[tilespmem:s0+$0x0] =	vst v1;
	s0 =	smul.u32 $0x3, s26  }
0x75: {  	[hbm4b:s1+s17] =	stream.strided.scatter [tilespmem:s14], [sflag:$0x4], $0x6400, s18, s17, $0x38;
	[tilespmem:$0x1C200] =	vst v63  }
0x76: {  	s28 =	sadd.s32 $0x2, s0;
	s0 =	simm.s32 @!p0 $0x6  }
0x77: {  	_ =	swait.ge @!p0 [sflag:s0], $0x6400;
	s1 =	smul.u32 $0x640, s28  }
0x78: {  	[sflag:s0] =	ssyncset.done @!p0 $0x0  }
0x79: {  	[sflag:s0] =	ssyncadd.s32 @!p0 $0xFFFF9C00;
	s1 =	sshra.s32 s1, $0x2  }
0x7a: {  	[tilespmem:s19], [sflag:$0x3] =	stream.indirect.gather [hbm4b:s3+s13], $0x40, s1, s13, $0xb8;
	[tilespmem:$0x1C200] =	vst v63  }
0x7b: {  	_ =	swait.ge [sflag:s20], $0x6400  }
0x7c: {  	[sflag:s20] =	ssyncset.done $0x0  }
0x7d: {  	s30 =	simm.s32 $0x6440;
	[sflag:s20] =	ssyncadd.s32 $0xFFFF9C00  }
0x7e: {  	s31 =	simm.s32 $0x12C70;
	v0 =	vld [tilespmem:s30+$0xFFFFFFC0]  }
0x7f: {  	v1 =	vld [tilespmem:s31+$0xFFFFCD90]  }
0x80: {  	v2 =	vld [tilespmem:s31+$0xFFFFFF90];
	_ =	sdelay $0x3  }
0x81: {  	v1 =	vadd.f32 v1, v0  }
0x82: {  	v0 =	vadd.f32 v2, v0  }
0x83: {  	[tilespmem:s31+$0xFFFFCD90] =	vst v1  }
0x84: {  	[tilespmem:s31+$0xFFFFFF90] =	vst v0;
	v0 =	vld [tilespmem:s31+$0xFFFFCDA0]  }
0x85: {  	v1 =	vld [tilespmem:s30+$0xFFFFFFD0]  }
0x86: {  	v2 =	vld [tilespmem:s31+$0xFFFFFFA0];
	_ =	sdelay $0x3  }
0x87: {  	v0 =	vadd.f32 v0, v1  }
0x88: {  	v1 =	vadd.f32 v2, v1  }
0x89: {  	[tilespmem:s31+$0xFFFFCDA0] =	vst v0  }
0x8a: {  	[tilespmem:s31+$0xFFFFFFA0] =	vst v1;
	v1 =	vld [tilespmem:s31+$0xFFFFCDB0]  }
0x8b: {  	v2 =	vld [tilespmem:s30+$0xFFFFFFE0]  }
0x8c: {  	v0 =	vld [tilespmem:s31+$0xFFFFFFB0];
	_ =	sdelay $0x3  }
0x8d: {  	v1 =	vadd.f32 v1, v2  }
0x8e: {  	v0 =	vadd.f32 v0, v2  }
0x8f: {  	[tilespmem:s31+$0xFFFFCDB0] =	vst v1  }
0x90: {  	[tilespmem:s31+$0xFFFFFFB0] =	vst v0;
	v0 =	vld [tilespmem:s31+$0xFFFFCDC0]  }
0x91: {  	v2 =	vld [tilespmem:s30+$0xFFFFFFF0]  }
0x92: {  	v1 =	vld [tilespmem:s31+$0xFFFFFFC0];
	_ =	sdelay $0x3  }
0x93: {  	v0 =	vadd.f32 v0, v2  }
0x94: {  	v1 =	vadd.f32 v1, v2  }
0x95: {  	[tilespmem:s31+$0xFFFFCDC0] =	vst v0  }
0x96: {  	[tilespmem:s31+$0xFFFFFFC0] =	vst v1;
	v1 =	vld [tilespmem:s31+$0xFFFFCDD0]  }
0x97: {  	v2 =	vld [tilespmem:s30+$0x0]  }
0x98: {  	v0 =	vld [tilespmem:s31+$0xFFFFFFD0];
	_ =	sdelay $0x3  }
0x99: {  	v1 =	vadd.f32 v1, v2  }
0x9a: {  	v0 =	vadd.f32 v0, v2  }
0x9b: {  	[tilespmem:s31+$0xFFFFCDD0] =	vst v1  }
0x9c: {  	[tilespmem:s31+$0xFFFFFFD0] =	vst v0;
	v0 =	vld [tilespmem:s31+$0xFFFFCDE0]  }
0x9d: {  	v2 =	vld [tilespmem:s30+$0x10]  }
0x9e: {  	v1 =	vld [tilespmem:s31+$0xFFFFFFE0];
	_ =	sdelay $0x3  }
0x9f: {  	v0 =	vadd.f32 v0, v2  }
0xa0: {  	v1 =	vadd.f32 v1, v2  }
0xa1: {  	[tilespmem:s31+$0xFFFFCDE0] =	vst v0  }
0xa2: {  	[tilespmem:s31+$0xFFFFFFE0] =	vst v1;
	v0 =	vld [tilespmem:s31+$0xFFFFCDF0]  }
0xa3: {  	v1 =	vld [tilespmem:s30+$0x20]  }
0xa4: {  	v2 =	vld [tilespmem:s31+$0xFFFFFFF0];
	_ =	sdelay $0x3  }
0xa5: {  	v0 =	vadd.f32 v0, v1  }
0xa6: {  	v1 =	vadd.f32 v2, v1  }
0xa7: {  	[tilespmem:s31+$0xFFFFCDF0] =	vst v0;
	v0 =	vld [tilespmem:s31+$0xFFFFCE00]  }
0xa8: {  	[tilespmem:s31+$0xFFFFFFF0] =	vst v1;
	v1 =	vld [tilespmem:s31+$0x0]  }
0xa9: {  	s0 =	simm.s32 $0x12C70;
	s1 =	simm.s32 $0x0;
	v2 =	vld [tilespmem:s30+$0x30]  }
.LBB2_5:
0xaa: {  	s1 =	sadd.s32 $0x2, s1;
	s31 =	sadd.s32 $0x80, s31;
	s30 =	sadd.s32 $0x80, s30  }
0xab: {  	p0 =	slt.u32 s1, $0xC6;
	_ =	sdelay $0x2  }
0xac: {  	v0 =	vadd.f32 v0, v2;
	v1 =	vadd.f32 v1, v2;
	_ =	sdelay $0x1  }
0xad: {  	[tilespmem:s0+$0xFFFFCE00] =	vst v0  }
0xae: {  	v0 =	vld [tilespmem:s31+$0xFFFFFF90];
	[tilespmem:s0+$0x0] =	vst v1;
	s0 =	smov.u32 s31  }
0xaf: {  	v1 =	vld [tilespmem:s30+$0xFFFFFFC0]  }
0xb0: {  	v2 =	vld [tilespmem:s31+$0xFFFFCD90];
	_ =	sdelay $0x3  }
0xb1: {  	v0 =	vadd.f32 v0, v1  }
0xb2: {  	v1 =	vadd.f32 v2, v1  }
0xb3: {  	[tilespmem:s31+$0xFFFFFF90] =	vst v0;
	v0 =	vld [tilespmem:s31+$0xFFFFFFA0]  }
0xb4: {  	[tilespmem:s31+$0xFFFFCD90] =	vst v1;
	v1 =	vld [tilespmem:s31+$0xFFFFCDA0]  }
0xb5: {  	v2 =	vld [tilespmem:s30+$0xFFFFFFD0];
	_ =	sdelay $0x4  }
0xb6: {  	v1 =	vadd.f32 v1, v2;
	v0 =	vadd.f32 v0, v2;
	_ =	sdelay $0x1  }
0xb7: {  	[tilespmem:s31+$0xFFFFCDA0] =	vst v1;
	v1 =	vld [tilespmem:s31+$0xFFFFFFB0]  }
0xb8: {  	[tilespmem:s31+$0xFFFFFFA0] =	vst v0;
	v0 =	vld [tilespmem:s31+$0xFFFFCDB0]  }
0xb9: {  	v2 =	vld [tilespmem:s30+$0xFFFFFFE0];
	_ =	sdelay $0x4  }
0xba: {  	v0 =	vadd.f32 v0, v2;
	v1 =	vadd.f32 v1, v2;
	_ =	sdelay $0x1  }
0xbb: {  	[tilespmem:s31+$0xFFFFCDB0] =	vst v0;
	v0 =	vld [tilespmem:s31+$0xFFFFFFC0]  }
0xbc: {  	[tilespmem:s31+$0xFFFFFFB0] =	vst v1;
	v1 =	vld [tilespmem:s31+$0xFFFFCDC0]  }
0xbd: {  	v2 =	vld [tilespmem:s30+$0xFFFFFFF0];
	_ =	sdelay $0x4  }
0xbe: {  	v1 =	vadd.f32 v1, v2;
	v0 =	vadd.f32 v0, v2;
	_ =	sdelay $0x1  }
0xbf: {  	[tilespmem:s31+$0xFFFFCDC0] =	vst v1;
	v1 =	vld [tilespmem:s31+$0xFFFFFFD0]  }
0xc0: {  	[tilespmem:s31+$0xFFFFFFC0] =	vst v0;
	v0 =	vld [tilespmem:s31+$0xFFFFCDD0]  }
0xc1: {  	v2 =	vld [tilespmem:s30+$0x0];
	_ =	sdelay $0x4  }
0xc2: {  	v0 =	vadd.f32 v0, v2;
	v1 =	vadd.f32 v1, v2;
	_ =	sdelay $0x1  }
0xc3: {  	[tilespmem:s31+$0xFFFFCDD0] =	vst v0;
	v0 =	vld [tilespmem:s31+$0xFFFFFFE0]  }
0xc4: {  	[tilespmem:s31+$0xFFFFFFD0] =	vst v1;
	v1 =	vld [tilespmem:s31+$0xFFFFCDE0]  }
0xc5: {  	v2 =	vld [tilespmem:s30+$0x10];
	_ =	sdelay $0x3  }
0xc6: {  	v3 =	vld [tilespmem:s31+$0xFFFFFFF0]  }
0xc7: {  	v1 =	vadd.f32 v1, v2;
	v0 =	vadd.f32 v0, v2;
	_ =	sdelay $0x1  }
0xc8: {  	[tilespmem:s31+$0xFFFFCDE0] =	vst v1  }
0xc9: {  	[tilespmem:s31+$0xFFFFFFE0] =	vst v0;
	v0 =	vld [tilespmem:s31+$0xFFFFCDF0]  }
0xca: {  	v1 =	vld [tilespmem:s30+$0x20];
	_ =	sdelay $0x4  }
.Ltmp1:
0xcb: {  	v0 =	vadd.f32 v0, v1;
	v1 =	vadd.f32 v3, v1;
	(pc) =	sbr.rel @p0 .LBB2_5-.Ltmp1, $4  }
0xcc: {  	_ = 	snop  }
0xcd: {  	[tilespmem:s31+$0xFFFFCDF0] =	vst v0;
	v0 =	vld [tilespmem:s31+$0xFFFFCE00]  }
0xce: {  	[tilespmem:s31+$0xFFFFFFF0] =	vst v1;
	v1 =	vld [tilespmem:s31+$0x0]  }
0xcf: {  	v2 =	vld [tilespmem:s30+$0x30]  }
0xd0: {  	_ =	sdelay $0x3  }
0xd1: {  	s1 =	sadd.s32 s29, s8;
	v0 =	vadd.f32 v0, v2  }
0xd2: {  	s1 =	sshll.u32 s1, $0x4;
	v1 =	vadd.f32 v1, v2  }
0xd3: {  	s1 =	sand.u32 $0x1FFFFF00, s1;
	[tilespmem:s0+$0xFFFFCE00] =	vst v0  }
0xd4: {  	s1 =	sadd.s32 s6, s1;
	[tilespmem:s0+$0x0] =	vst v1  }
0xd5: {  	[hbm4b:s1+s17] =	stream.strided.scatter [tilespmem:s15], [sflag:$0x5], $0x6400, s18, s17, $0x38;
	[tilespmem:$0x1C200] =	vst v63  }
0xd6: {  	s1 =	smul.u32 $0x12C0, s26  }
0xd7: {  	_ =	swait.ge [sflag:s21], $0x6400  }
0xd8: {  	[sflag:s21] =	ssyncset.done $0x0;
	s29 =	sshra.s32 s1, $0x2  }
0xd9: {  	[sflag:s21] =	ssyncadd.s32 $0xFFFF9C00;
	s0 =	sadd.s32 $0x4B0, s29  }
0xda: {  	[tilespmem:s14], [sflag:$0x1] =	stream.indirect.gather [hbm4b:s3+s13], $0x40, s0, s13, $0xb8;
	[tilespmem:$0x1C200] =	vst v63  }
0xdb: {  	_ =	swait.ge [sflag:s22], $0x6400  }
0xdc: {  	[sflag:s22] =	ssyncset.done $0x0  }
0xdd: {  	s30 =	simm.s32 $0x6440;
	[sflag:s22] =	ssyncadd.s32 $0xFFFF9C00  }
0xde: {  	s31 =	simm.s32 $0x19070;
	v0 =	vld [tilespmem:s30+$0xFFFFFFC0]  }
0xdf: {  	v1 =	vld [tilespmem:s31+$0xFFFFCD90]  }
0xe0: {  	v2 =	vld [tilespmem:s31+$0xFFFFFF90];
	_ =	sdelay $0x3  }
0xe1: {  	v1 =	vadd.f32 v1, v0  }
0xe2: {  	v0 =	vadd.f32 v2, v0  }
0xe3: {  	[tilespmem:s31+$0xFFFFCD90] =	vst v1  }
0xe4: {  	[tilespmem:s31+$0xFFFFFF90] =	vst v0;
	v0 =	vld [tilespmem:s31+$0xFFFFCDA0]  }
0xe5: {  	v1 =	vld [tilespmem:s30+$0xFFFFFFD0]  }
0xe6: {  	v2 =	vld [tilespmem:s31+$0xFFFFFFA0];
	_ =	sdelay $0x3  }
0xe7: {  	v0 =	vadd.f32 v0, v1  }
0xe8: {  	v1 =	vadd.f32 v2, v1  }
0xe9: {  	[tilespmem:s31+$0xFFFFCDA0] =	vst v0  }
0xea: {  	[tilespmem:s31+$0xFFFFFFA0] =	vst v1;
	v1 =	vld [tilespmem:s31+$0xFFFFCDB0]  }
0xeb: {  	v2 =	vld [tilespmem:s30+$0xFFFFFFE0]  }
0xec: {  	v0 =	vld [tilespmem:s31+$0xFFFFFFB0];
	_ =	sdelay $0x3  }
0xed: {  	v1 =	vadd.f32 v1, v2  }
0xee: {  	v0 =	vadd.f32 v0, v2  }
0xef: {  	[tilespmem:s31+$0xFFFFCDB0] =	vst v1  }
0xf0: {  	[tilespmem:s31+$0xFFFFFFB0] =	vst v0;
	v0 =	vld [tilespmem:s31+$0xFFFFCDC0]  }
0xf1: {  	v2 =	vld [tilespmem:s30+$0xFFFFFFF0]  }
0xf2: {  	v1 =	vld [tilespmem:s31+$0xFFFFFFC0];
	_ =	sdelay $0x3  }
0xf3: {  	v0 =	vadd.f32 v0, v2  }
0xf4: {  	v1 =	vadd.f32 v1, v2  }
0xf5: {  	[tilespmem:s31+$0xFFFFCDC0] =	vst v0  }
0xf6: {  	[tilespmem:s31+$0xFFFFFFC0] =	vst v1;
	v1 =	vld [tilespmem:s31+$0xFFFFCDD0]  }
0xf7: {  	v2 =	vld [tilespmem:s30+$0x0]  }
0xf8: {  	v0 =	vld [tilespmem:s31+$0xFFFFFFD0];
	_ =	sdelay $0x3  }
0xf9: {  	v1 =	vadd.f32 v1, v2  }
0xfa: {  	v0 =	vadd.f32 v0, v2  }
0xfb: {  	[tilespmem:s31+$0xFFFFCDD0] =	vst v1  }
0xfc: {  	[tilespmem:s31+$0xFFFFFFD0] =	vst v0;
	v0 =	vld [tilespmem:s31+$0xFFFFCDE0]  }
0xfd: {  	v2 =	vld [tilespmem:s30+$0x10]  }
0xfe: {  	v1 =	vld [tilespmem:s31+$0xFFFFFFE0];
	_ =	sdelay $0x3  }
0xff: {  	v0 =	vadd.f32 v0, v2  }
0x100: {  	v1 =	vadd.f32 v1, v2  }
0x101: {  	[tilespmem:s31+$0xFFFFCDE0] =	vst v0  }
0x102: {  	[tilespmem:s31+$0xFFFFFFE0] =	vst v1;
	v0 =	vld [tilespmem:s31+$0xFFFFCDF0]  }
0x103: {  	v1 =	vld [tilespmem:s30+$0x20]  }
0x104: {  	v2 =	vld [tilespmem:s31+$0xFFFFFFF0];
	_ =	sdelay $0x3  }
0x105: {  	v0 =	vadd.f32 v0, v1  }
0x106: {  	v1 =	vadd.f32 v2, v1  }
0x107: {  	[tilespmem:s31+$0xFFFFCDF0] =	vst v0;
	v0 =	vld [tilespmem:s31+$0xFFFFCE00]  }
0x108: {  	[tilespmem:s31+$0xFFFFFFF0] =	vst v1;
	v1 =	vld [tilespmem:s31+$0x0]  }
0x109: {  	s1 =	simm.s32 $0x0;
	s0 =	simm.s32 $0x19070;
	v2 =	vld [tilespmem:s30+$0x30]  }
.LBB2_7:
0x10a: {  	s1 =	sadd.s32 $0x2, s1;
	s31 =	sadd.s32 $0x80, s31;
	s30 =	sadd.s32 $0x80, s30  }
0x10b: {  	p0 =	slt.u32 s1, $0xC6;
	_ =	sdelay $0x2  }
0x10c: {  	v0 =	vadd.f32 v0, v2;
	v1 =	vadd.f32 v1, v2;
	_ =	sdelay $0x1  }
0x10d: {  	[tilespmem:s0+$0xFFFFCE00] =	vst v0  }
0x10e: {  	v0 =	vld [tilespmem:s31+$0xFFFFFF90];
	[tilespmem:s0+$0x0] =	vst v1;
	s0 =	smov.u32 s31  }
0x10f: {  	v1 =	vld [tilespmem:s30+$0xFFFFFFC0]  }
0x110: {  	v2 =	vld [tilespmem:s31+$0xFFFFCD90];
	_ =	sdelay $0x3  }
0x111: {  	v0 =	vadd.f32 v0, v1  }
0x112: {  	v1 =	vadd.f32 v2, v1  }
0x113: {  	[tilespmem:s31+$0xFFFFFF90] =	vst v0;
	v0 =	vld [tilespmem:s31+$0xFFFFFFA0]  }
0x114: {  	[tilespmem:s31+$0xFFFFCD90] =	vst v1;
	v1 =	vld [tilespmem:s31+$0xFFFFCDA0]  }
0x115: {  	v2 =	vld [tilespmem:s30+$0xFFFFFFD0];
	_ =	sdelay $0x4  }
0x116: {  	v1 =	vadd.f32 v1, v2;
	v0 =	vadd.f32 v0, v2;
	_ =	sdelay $0x1  }
0x117: {  	[tilespmem:s31+$0xFFFFCDA0] =	vst v1;
	v1 =	vld [tilespmem:s31+$0xFFFFFFB0]  }
0x118: {  	[tilespmem:s31+$0xFFFFFFA0] =	vst v0;
	v0 =	vld [tilespmem:s31+$0xFFFFCDB0]  }
0x119: {  	v2 =	vld [tilespmem:s30+$0xFFFFFFE0];
	_ =	sdelay $0x4  }
0x11a: {  	v0 =	vadd.f32 v0, v2;
	v1 =	vadd.f32 v1, v2;
	_ =	sdelay $0x1  }
0x11b: {  	[tilespmem:s31+$0xFFFFCDB0] =	vst v0;
	v0 =	vld [tilespmem:s31+$0xFFFFFFC0]  }
0x11c: {  	[tilespmem:s31+$0xFFFFFFB0] =	vst v1;
	v1 =	vld [tilespmem:s31+$0xFFFFCDC0]  }
0x11d: {  	v2 =	vld [tilespmem:s30+$0xFFFFFFF0];
	_ =	sdelay $0x4  }
0x11e: {  	v1 =	vadd.f32 v1, v2;
	v0 =	vadd.f32 v0, v2;
	_ =	sdelay $0x1  }
0x11f: {  	[tilespmem:s31+$0xFFFFCDC0] =	vst v1;
	v1 =	vld [tilespmem:s31+$0xFFFFFFD0]  }
0x120: {  	[tilespmem:s31+$0xFFFFFFC0] =	vst v0;
	v0 =	vld [tilespmem:s31+$0xFFFFCDD0]  }
0x121: {  	v2 =	vld [tilespmem:s30+$0x0];
	_ =	sdelay $0x4  }
0x122: {  	v0 =	vadd.f32 v0, v2;
	v1 =	vadd.f32 v1, v2;
	_ =	sdelay $0x1  }
0x123: {  	[tilespmem:s31+$0xFFFFCDD0] =	vst v0;
	v0 =	vld [tilespmem:s31+$0xFFFFFFE0]  }
0x124: {  	[tilespmem:s31+$0xFFFFFFD0] =	vst v1;
	v1 =	vld [tilespmem:s31+$0xFFFFCDE0]  }
0x125: {  	v2 =	vld [tilespmem:s30+$0x10];
	_ =	sdelay $0x3  }
0x126: {  	v3 =	vld [tilespmem:s31+$0xFFFFFFF0]  }
0x127: {  	v1 =	vadd.f32 v1, v2;
	v0 =	vadd.f32 v0, v2;
	_ =	sdelay $0x1  }
0x128: {  	[tilespmem:s31+$0xFFFFCDE0] =	vst v1  }
0x129: {  	[tilespmem:s31+$0xFFFFFFE0] =	vst v0;
	v0 =	vld [tilespmem:s31+$0xFFFFCDF0]  }
0x12a: {  	v1 =	vld [tilespmem:s30+$0x20];
	_ =	sdelay $0x4  }
.Ltmp2:
0x12b: {  	v0 =	vadd.f32 v0, v1;
	v1 =	vadd.f32 v3, v1;
	(pc) =	sbr.rel @p0 .LBB2_7-.Ltmp2, $4  }
0x12c: {  	_ = 	snop  }
0x12d: {  	[tilespmem:s31+$0xFFFFCDF0] =	vst v0;
	v0 =	vld [tilespmem:s31+$0xFFFFCE00]  }
0x12e: {  	[tilespmem:s31+$0xFFFFFFF0] =	vst v1;
	v1 =	vld [tilespmem:s31+$0x0]  }
0x12f: {  	v2 =	vld [tilespmem:s30+$0x30]  }
0x130: {  	_ =	sdelay $0x1  }
0x131: {  	s1 =	smul.u32 $0x190, s28  }
0x132: {  	p0 =	seq.s32 s26, $0x14  }
.Ltmp3:
0x133: {  	s1 =	sadd.s32 s4, s1;
	v0 =	vadd.f32 v0, v2;
	(pc) =	sbr.rel @p0 .LBB2_10-.Ltmp3, $4  }
0x134: {  	s1 =	sshll.u32 s1, $0x4;
	v1 =	vadd.f32 v1, v2  }
0x135: {  	s1 =	sand.u32 $0x1FFFFF00, s1;
	[tilespmem:s0+$0xFFFFCE00] =	vst v0  }
0x136: {  	s31 =	sadd.s32 s6, s1;
	[tilespmem:s0+$0x0] =	vst v1  }
0x137: {  	[hbm4b:s31+s17] =	stream.strided.scatter [tilespmem:s19], [sflag:$0x6], $0x6400, s18, s17, $0x38;
	[tilespmem:$0x1C200] =	vst v63  }
.Ltmp4:
0x138: {  	(pc) =	sbr.rel .LBB2_2-.Ltmp4, $4  }
0x139: {  	_ =	swait.ge [sflag:s23], $0x6400  }
0x13a: {  	[sflag:s23] =	ssyncset.done $0x0  }
0x13b: {  	s0 =	sadd.s32 $0x640, s29;
	s26 =	sadd.s32 $0x1, s26;
	[sflag:s23] =	ssyncadd.s32 $0xFFFF9C00  }
0x13c: {  	[tilespmem:s15], [sflag:$0x2] =	stream.indirect.gather [hbm4b:s3+s13], $0x40, s0, s13, $0xb8;
	[tilespmem:$0x1C200] =	vst v63  }
.LBB2_10:
0x13d: {  	_ =	swait.ge [sflag:s16], $0x6400  }
0x13e: {  	[sflag:s16] =	ssyncset.done $0x0  }
0x13f: {  	s26 =	simm.s32 $0x6440;
	[sflag:s16] =	ssyncadd.s32 $0xFFFF9C00  }
0x140: {  	s28 =	simm.s32 $0xC870;
	v0 =	vld [tilespmem:s26+$0xFFFFFFC0]  }
0x141: {  	v1 =	vld [tilespmem:s28+$0xFFFFCD90]  }
0x142: {  	v2 =	vld [tilespmem:s28+$0xFFFFFF90];
	_ =	sdelay $0x3  }
0x143: {  	v1 =	vadd.f32 v1, v0  }
0x144: {  	v0 =	vadd.f32 v2, v0  }
0x145: {  	[tilespmem:s28+$0xFFFFCD90] =	vst v1  }
0x146: {  	[tilespmem:s28+$0xFFFFFF90] =	vst v0;
	v0 =	vld [tilespmem:s28+$0xFFFFCDA0]  }
0x147: {  	v1 =	vld [tilespmem:s26+$0xFFFFFFD0]  }
0x148: {  	v2 =	vld [tilespmem:s28+$0xFFFFFFA0];
	_ =	sdelay $0x3  }
0x149: {  	v0 =	vadd.f32 v0, v1  }
0x14a: {  	v1 =	vadd.f32 v2, v1  }
0x14b: {  	[tilespmem:s28+$0xFFFFCDA0] =	vst v0  }
0x14c: {  	[tilespmem:s28+$0xFFFFFFA0] =	vst v1;
	v1 =	vld [tilespmem:s28+$0xFFFFCDB0]  }
0x14d: {  	v2 =	vld [tilespmem:s26+$0xFFFFFFE0]  }
0x14e: {  	v0 =	vld [tilespmem:s28+$0xFFFFFFB0];
	_ =	sdelay $0x3  }
0x14f: {  	v1 =	vadd.f32 v1, v2  }
0x150: {  	v0 =	vadd.f32 v0, v2  }
0x151: {  	[tilespmem:s28+$0xFFFFCDB0] =	vst v1  }
0x152: {  	[tilespmem:s28+$0xFFFFFFB0] =	vst v0;
	v0 =	vld [tilespmem:s28+$0xFFFFCDC0]  }
0x153: {  	v2 =	vld [tilespmem:s26+$0xFFFFFFF0]  }
0x154: {  	v1 =	vld [tilespmem:s28+$0xFFFFFFC0];
	_ =	sdelay $0x3  }
0x155: {  	v0 =	vadd.f32 v0, v2  }
0x156: {  	v1 =	vadd.f32 v1, v2  }
0x157: {  	[tilespmem:s28+$0xFFFFCDC0] =	vst v0  }
0x158: {  	[tilespmem:s28+$0xFFFFFFC0] =	vst v1;
	v1 =	vld [tilespmem:s28+$0xFFFFCDD0]  }
0x159: {  	v2 =	vld [tilespmem:s26+$0x0]  }
0x15a: {  	v0 =	vld [tilespmem:s28+$0xFFFFFFD0];
	_ =	sdelay $0x3  }
0x15b: {  	v1 =	vadd.f32 v1, v2  }
0x15c: {  	v0 =	vadd.f32 v0, v2  }
0x15d: {  	[tilespmem:s28+$0xFFFFCDD0] =	vst v1  }
0x15e: {  	[tilespmem:s28+$0xFFFFFFD0] =	vst v0;
	v0 =	vld [tilespmem:s28+$0xFFFFCDE0]  }
0x15f: {  	v2 =	vld [tilespmem:s26+$0x10]  }
0x160: {  	v1 =	vld [tilespmem:s28+$0xFFFFFFE0];
	_ =	sdelay $0x3  }
0x161: {  	v0 =	vadd.f32 v0, v2  }
0x162: {  	v1 =	vadd.f32 v1, v2  }
0x163: {  	[tilespmem:s28+$0xFFFFCDE0] =	vst v0  }
0x164: {  	[tilespmem:s28+$0xFFFFFFE0] =	vst v1;
	v0 =	vld [tilespmem:s28+$0xFFFFCDF0]  }
0x165: {  	v1 =	vld [tilespmem:s26+$0x20]  }
0x166: {  	v2 =	vld [tilespmem:s28+$0xFFFFFFF0];
	_ =	sdelay $0x3  }
0x167: {  	v0 =	vadd.f32 v0, v1  }
0x168: {  	v1 =	vadd.f32 v2, v1  }
0x169: {  	[tilespmem:s28+$0xFFFFCDF0] =	vst v0;
	v0 =	vld [tilespmem:s28+$0xFFFFCE00]  }
0x16a: {  	[tilespmem:s28+$0xFFFFFFF0] =	vst v1;
	v1 =	vld [tilespmem:s28+$0x0]  }
0x16b: {  	s1 =	simm.s32 $0x0;
	s0 =	simm.s32 $0xC870;
	v2 =	vld [tilespmem:s26+$0x30]  }
.LBB2_11:
0x16c: {  	s1 =	sadd.s32 $0x2, s1;
	s28 =	sadd.s32 $0x80, s28;
	s26 =	sadd.s32 $0x80, s26  }
0x16d: {  	p0 =	slt.u32 s1, $0xC6;
	_ =	sdelay $0x2  }
0x16e: {  	v0 =	vadd.f32 v0, v2;
	v1 =	vadd.f32 v1, v2;
	_ =	sdelay $0x1  }
0x16f: {  	[tilespmem:s0+$0xFFFFCE00] =	vst v0  }
0x170: {  	v0 =	vld [tilespmem:s28+$0xFFFFFF90];
	[tilespmem:s0+$0x0] =	vst v1;
	s0 =	smov.u32 s28  }
0x171: {  	v1 =	vld [tilespmem:s26+$0xFFFFFFC0]  }
0x172: {  	v2 =	vld [tilespmem:s28+$0xFFFFCD90];
	_ =	sdelay $0x3  }
0x173: {  	v0 =	vadd.f32 v0, v1  }
0x174: {  	v1 =	vadd.f32 v2, v1  }
0x175: {  	[tilespmem:s28+$0xFFFFFF90] =	vst v0;
	v0 =	vld [tilespmem:s28+$0xFFFFFFA0]  }
0x176: {  	[tilespmem:s28+$0xFFFFCD90] =	vst v1;
	v1 =	vld [tilespmem:s28+$0xFFFFCDA0]  }
0x177: {  	v2 =	vld [tilespmem:s26+$0xFFFFFFD0];
	_ =	sdelay $0x4  }
0x178: {  	v1 =	vadd.f32 v1, v2;
	v0 =	vadd.f32 v0, v2;
	_ =	sdelay $0x1  }
0x179: {  	[tilespmem:s28+$0xFFFFCDA0] =	vst v1;
	v1 =	vld [tilespmem:s28+$0xFFFFFFB0]  }
0x17a: {  	[tilespmem:s28+$0xFFFFFFA0] =	vst v0;
	v0 =	vld [tilespmem:s28+$0xFFFFCDB0]  }
0x17b: {  	v2 =	vld [tilespmem:s26+$0xFFFFFFE0];
	_ =	sdelay $0x4  }
0x17c: {  	v0 =	vadd.f32 v0, v2;
	v1 =	vadd.f32 v1, v2;
	_ =	sdelay $0x1  }
0x17d: {  	[tilespmem:s28+$0xFFFFCDB0] =	vst v0;
	v0 =	vld [tilespmem:s28+$0xFFFFFFC0]  }
0x17e: {  	[tilespmem:s28+$0xFFFFFFB0] =	vst v1;
	v1 =	vld [tilespmem:s28+$0xFFFFCDC0]  }
0x17f: {  	v2 =	vld [tilespmem:s26+$0xFFFFFFF0];
	_ =	sdelay $0x4  }
0x180: {  	v1 =	vadd.f32 v1, v2;
	v0 =	vadd.f32 v0, v2;
	_ =	sdelay $0x1  }
0x181: {  	[tilespmem:s28+$0xFFFFCDC0] =	vst v1;
	v1 =	vld [tilespmem:s28+$0xFFFFFFD0]  }
0x182: {  	[tilespmem:s28+$0xFFFFFFC0] =	vst v0;
	v0 =	vld [tilespmem:s28+$0xFFFFCDD0]  }
0x183: {  	v2 =	vld [tilespmem:s26+$0x0];
	_ =	sdelay $0x4  }
0x184: {  	v0 =	vadd.f32 v0, v2;
	v1 =	vadd.f32 v1, v2;
	_ =	sdelay $0x1  }
0x185: {  	[tilespmem:s28+$0xFFFFCDD0] =	vst v0;
	v0 =	vld [tilespmem:s28+$0xFFFFFFE0]  }
0x186: {  	[tilespmem:s28+$0xFFFFFFD0] =	vst v1;
	v1 =	vld [tilespmem:s28+$0xFFFFCDE0]  }
0x187: {  	v2 =	vld [tilespmem:s26+$0x10];
	_ =	sdelay $0x3  }
0x188: {  	v3 =	vld [tilespmem:s28+$0xFFFFFFF0]  }
0x189: {  	v1 =	vadd.f32 v1, v2;
	v0 =	vadd.f32 v0, v2;
	_ =	sdelay $0x1  }
0x18a: {  	[tilespmem:s28+$0xFFFFCDE0] =	vst v1  }
0x18b: {  	[tilespmem:s28+$0xFFFFFFE0] =	vst v0;
	v0 =	vld [tilespmem:s28+$0xFFFFCDF0]  }
0x18c: {  	v1 =	vld [tilespmem:s26+$0x20];
	_ =	sdelay $0x4  }
.Ltmp5:
0x18d: {  	v0 =	vadd.f32 v0, v1;
	v1 =	vadd.f32 v3, v1;
	(pc) =	sbr.rel @p0 .LBB2_11-.Ltmp5, $4  }
0x18e: {  	_ = 	snop  }
0x18f: {  	[tilespmem:s28+$0xFFFFCDF0] =	vst v0;
	v0 =	vld [tilespmem:s28+$0xFFFFCE00]  }
0x190: {  	[tilespmem:s28+$0xFFFFFFF0] =	vst v1;
	v1 =	vld [tilespmem:s28+$0x0]  }
0x191: {  	v2 =	vld [tilespmem:s26+$0x30]  }
0x192: {  	_ =	sdelay $0x3  }
0x193: {  	v0 =	vadd.f32 v0, v2  }
0x194: {  	v1 =	vadd.f32 v1, v2  }
0x195: {  	[tilespmem:s0+$0xFFFFCE00] =	vst v0  }
0x196: {  	[tilespmem:s0+$0x0] =	vst v1  }
0x197: {  	[hbm4b:s9+s17] =	stream.strided.scatter [tilespmem:s14], [sflag:$0x4], $0x6400, s18, s17, $0x38;
	[tilespmem:$0x1C200] =	vst v63  }
0x198: {  	_ =	swait.ge [sflag:s21], $0x6400  }
0x199: {  	[sflag:s21] =	ssyncset.done $0x0  }
0x19a: {  	s25 =	sadd.s32 $0x1, s25;
	[sflag:s21] =	ssyncadd.s32 $0xFFFF9C00  }
0x19b: {  	p0 =	sne.s32 s25, s10;
	_ =	swait.ge [sflag:s23], $0x6400  }
.Ltmp6:
0x19c: {  	[sflag:s23] =	ssyncset.done $0x0;
	(pc) =	sbr.rel @p0 .LBB2_1-.Ltmp6, $4  }
0x19d: {  	[sflag:s23] =	ssyncadd.s32 $0xFFFF9C00  }
0x19e: {  	_ =	swait.ge [sflag:s24], $0x6400  }
0x19f: {  	[sflag:s24] =	ssyncset.done $0x0  }
0x1a0: {  	[sflag:s24] =	ssyncadd.s32 $0xFFFF9C00  }
0x1a1: {  	_ =	sfence.sel $0x180000  }
0x1a2: {  	[bflag:$0x0] =	sbarrier.arrive $0xFFFF  }
0x1a3: {  	_ =	strace $0x90000047  }
0x1a4: {  	s0 =	stileid.u32;
	[bflag:$0x2] =	sbarrier.arrive $0xFFFF  }
0x1a5: {  	p0 =	sne.s32 s0, $0x0;
	s0 =	rddreg [dreg:$0x2]  }
0x1a6: {  	s0 =	sadd.s32 @!p0 $0x100000, s0  }
0x1a7: {  	[sflag:s0] =	ssyncadd.tile.s32 @!p0 $0x1;
	_ =	shalt  }
.Lfunc_end2:
_tile_overlayer_lowered:
.L_overlay_start_2:
0x1a8: {  	(tag) =	ssettag $0x2  }
0x1a9: {  	s0 =	rddreg [dreg:$0x0];
	s2 =	stileid.u32  }
0x1aa: {  	s1 =	rddreg [dreg:$0x1];
	p0 =	sne.s32 s2, $0x0  }
0x1ab: {  	s3 =	rddreg [dreg:$0x2];
	[bflag:$0x3] =	sbarrier.arrive $0xFFFF;
	s2 =	simm.s32 @!p0 $0x1C07  }
0x1ac: {  	[timem:s3], [sflag:s2] =	dma.local @!p0 [hbm:s0], s1  }
0x1ad: {  	s0 =	simm.s32 @!p0 $0x7  }
0x1ae: {  	_ =	swait.ge @!p0 [sflag:s0], s1  }
0x1af: {  	s1 =	ssub.s32 @!p0 $0x0, s1;
	[sflag:s0] =	ssyncset.done @!p0 $0x0  }
0x1b0: {  	[sflag:s0] =	ssyncadd.s32 @!p0 s1  }
0x1b1: {  	[bflag:$0x3] =	sbarrier.arrive $0xFFFF  }
0x1b2: {  	_ =	shalt  }

// kernel: sparse-core-data-format-call.cloned.1.call-start
scs
called_computation_lowered:
.L_overlay_start_0:
0x0: {  	s2 =	sld [smem:$0x3FD9]  }
0x1: {  	s3 =	sld [smem:$0x3FFE];
	_ =	sdelay $0x1  }
0x2: {  	s1 =	srdreg.scid  }
0x3: {  	s0 =	sand.u32 $0x1, s1  }
0x4: {  	s18 =	sshll.u32 s0, $0xA;
	s2 =	sadd.s32 s3, s2  }
0x5: {  	s2 =	sadd.s32 s2, s18  }
0x6: {  	[smem:$0x3FC5] =	sst s2  }
0x7: {  	_ = 	snop  }
0x8: {  	s2 =	sld [smem:$0x3FD0];
	(tm) =	ssettm $0x1  }
0x9: {  	s19 =	sld [smem:$0x3FFB];
	_ =	sdelay $0x3  }
0xa: {  	_ =	strace s19  }
0xb: {  	s3 =	sld [smem:$0x3FFC];
	_ =	sdelay $0x3  }
0xc: {  	_ =	strace s3  }
0xd: {  	s3 =	sld [smem:$0x3FFD];
	_ =	sdelay $0x3  }
0xe: {  	_ =	strace s3  }
0xf: {  	_ =	strace $0x8FFFFFFF  }
0x10: {  	s20 =	sld [smem:$0x3FDB];
	_ =	sdelay $0x1  }
0x11: {  	s4 =	simm.s32 $_scs_section_size  }
0x12: {  	s5 =	simm.s32 $_size__tile_overlayer_lowered;
	s6 =	simm.s32 $_tile_overlayer_lowered  }
0x13: {  	s23 =	simm.s32 $0x1BFF;
	s22 =	sshll.u32 s6, $0x1;
	s3 =	sadd.s32 s4, s20  }
0x14: {  	s7 =	simm.s32 $0x0;
	s21 =	sshll.u32 s5, $0x1;
	s5 =	sadd.s32 s22, s3  }
0x15: {  	[timem:s7], [sflag:s23] =	dma.local [hbm:s5], s21  }
0x16: {  	_ =	swait.ge [sflag:s23], s21  }
0x17: {  	s4 =	ssub.s32 $0x0, s21;
	[sflag:s23] =	ssyncset.done $0x0  }
0x18: {  	[sflag:s23] =	ssyncadd.s32 s4;
	_ =	sdelay $0x1  }
0x19: {  	s24 =	simm.s32 $0x1B8B  }
0x1a: {  	_ =	swait.ge [sflag:s24], $0x1  }
0x1b: {  	[sflag:s24] =	ssyncset.done $0x0  }
0x1c: {  	s26 =	simm.s32 $0x1B8E;
	s25 =	sld [smem:$0x3FFE];
	[sflag:s24] =	ssyncadd.s32 $0xFFFFFFFF  }
0x1d: {  	s27 =	simm.s32 $execute0_lowered;
	[smem:$0x3FD2] =	sst s26  }
0x1e: {  	s5 =	sshll.u32 s27, $0x1;
	_ =	strace $0x80000049;
	[dreg:$0x1] =	wrdreg $0xFFFFFFFF  }
0x1f: {  	s28 =	simm.s32 $_size_execute0_lowered;
	s3 =	sadd.s32 s3, s5;
	[dreg:$0x0] =	wrdreg $0x0  }
0x20: {  	s5 =	sshll.u32 s28, $0x1;
	[dreg:$0x2] =	wrdreg s3  }
0x21: {  	[dreg:$0x3] =	wrdreg s5  }
0x22: {  	[dreg:$0x4] =	wrdreg $0xC0  }
0x23: {  	_ =	task [dreg:s7], $0x5FFFF  }
0x24: {  	[dreg:$0x1] =	wrdreg $0xFFFFFFFF  }
0x25: {  	[dreg:$0x0] =	wrdreg $0x60  }
0x26: {  	[dreg:$0x2] =	wrdreg s25  }
0x27: {  	[dreg:$0x3] =	wrdreg s2  }
0x28: {  	[dreg:$0x4] =	wrdreg $0x9  }
0x29: {  	_ =	task.clear_ibuf [dreg:s7], $0x5FFFF;
	_ =	strace $0x90000049  }
0x2a: {  	s29 =	simm.s32 $0x9;
	_ =	strace $0x8000004B  }
0x2b: {  	_ =	swait.ge [sflag:s29], $0x1  }
0x2c: {  	[sflag:s29] =	ssyncadd.s32 $0xFFFFFFFF  }
0x2d: {  	_ =	strace $0x9000004B  }
0x2e: {  	_ =	sfence  }
0x2f: {  	s30 =	sld [smem:$0x0];
	_ =	sdelay $0x2  }
0x30: {  	s31 =	sshll.u32 s1, $0xD;
	s1 =	sshrl.u32 s1, $0x2  }
0x31: {  	s3 =	sand.u32 $0x4000, s31;
	s1 =	sadd.s32 s1, s30  }
0x32: {  	s0 =	sor.u32 s3, s0;
	s1 =	sshll.u32 s1, $0x11  }
0x33: {  	s0 =	sor.u32 s1, s0  }
0x34: {  	s0 =	sadd.s32 $0x8F2B, s0  }
0x35: {  	[sflag:s0] =	ssyncadd.remote.s32 $0x1  }
0x36: {  	_ =	sfence.sel $0xFFFF  }
0x37: {  	[dreg:$0x0] =	wrdreg $0xFFFFFFFF;
	(pc) =	sbr.abs _section_cstart, $3  }
0x38: {  	[dreg:$0x1] =	wrdreg $0xFFFFFFFF  }
0x39: {  	_ =	task.clear_ibuf [dreg:s7], $0x2FFFF;
	_ =	strace $0x9FFFFFFF  }
0x3a: {  	(tm) =	ssettm $0x7FFFFFFF  }
0x3b: {  	_ =	shalt  }
tec
execute0_lowered:
.L_overlay_start_1:
0x0: {  	(tag) =	ssettag $0x1  }
0x1: {  	s0 =	srdreg.scid  }
0x2: {  	s1 =	sshll.u32 s0, $0x4  }
0x3: {  	s0 =	stileid.u32;
	s1 =	sand.u32 $0x10, s1  }
0x4: {  	s1 =	sor.u32 s0, s1  }
0x5: {  	s6 =	rddreg [dreg:$0x0];
	s4 =	simm.s32 $0x1;
	s2 =	sshll.u32 s1, $0x7  }
0x6: {  	s7 =	simm.s32 $0x2;
	s12 =	simm.s32 $0x0;
	s1 =	ssub.s32 $0x1000, s2  }
0x7: {  	s8 =	simm.s32 $0x8000;
	s13 =	simm.s32 $0x0;
	s3 =	sand.u32 $0xF80, s1  }
0x8: {  	s9 =	simm.s32 $0x0;
	s5 =	sshrl.u32 s1, $0xC;
	p0 =	sne.s32 s3, $0x0  }
.Ltmp0:
0x9: {  	s1 =	rddreg [dreg:$0x2];
	s4 =	simm.s32 @!p0 $0x0;
	(pc) =	sbr.rel .LBB1_1-.Ltmp0, $4  }
0xa: {  	s11 =	simm.s32 $0x0;
	s3 =	rddreg [dreg:$0x1];
	s5 =	sadd.s32 s4, s5  }
0xb: {  	_ =	strace $0x8000004A;
	s4 =	simm.s32 $0x1;
	s5 =	smul.u32 $0xC8, s5  }
0xc: {  	s6 =	sadd.s32 $0xF43400, s6;
	s10 =	smov.u32 s2;
	[sflag:s4] =	ssyncpa.u1 $0x0  }
0xd: {  	p0 =	por $0x0, $0x0;
	[sflag:s7] =	ssyncpa.u1 $0x0;
	s7 =	sor.u32 $0x1, s5  }
.LBB1_4:
0xe: {  	s16 =	sshll.u32 s13, $0x3;
	s17 =	sand.u32 $0x78, s13  }
0xf: {  	s30 =	sand.u32 $0x7E00, s13;
	s12 =	sshll.u32 s12, $0xF;
	s16 =	sand.u32 $0xC00, s16  }
0x10: {  	[tilespmem:s15+$0x810 ss:$0x81] =	vst.msk $0xffff, v2;
	s31 =	sand.u32 $0x7, s13;
	s16 =	sor.u32 s17, s16;
	s17 =	sadd.s32 s3, s30  }
0x11: {  	[tilespmem:s15+$0x1020 ss:$0x81] =	vst.msk $0xffff, v0;
	s13 =	sshll.u32 s31, $0x12;
	s12 =	sadd.s32 s12, s17;
	s16 =	sshrl.u32 s16, $0x3  }
0x12: {  	[tilespmem:s15+$0x0 ss:$0x81] =	vst.msk $0xffff, v1;
	s13 =	sor.u32 $0x400, s13;
	s12 =	sadd.s32 s16, s12  }
0x13: {  	[hbm4b:s12+s13] =	stream.strided.scatter [tilespmem:s14], [sflag:$0x2], $0x2000, s8, s13, $0x20;
	[tilespmem:$0x8080] =	vst v63  }
.LBB1_5:
0x14: {  	s14 =	sadd.s32 $0x1, s9  }
0x15: {  	s12 =	sadd.s32 $0x1000, s10;
	s16 =	smov.u32 s10;
	p2 =	sgt.s32 s14, $0xC7  }
0x16: {  	s16 =	smov.u32 @p2 s12  }
0x17: {  	s14 =	simm.s32 @p2 $0x0;
	p2 =	sgt.s32 s16, $0xFFF  }
0x18: {  	s16 =	smov.u32 @p2 s2;
	p2 =	sne.s32 s11, s7  }
.Ltmp1:
0x19: {  	p1 =	slt.u32 s11, $0x2;
	(pc) =	sbr.rel @!p2 .LBB1_6-.Ltmp1, $4  }
0x1a: {  	s15 =	simm.s32 @!p1 $0x2  }
0x1b: {  	s13 =	smov.u32 s10;
	p0 =	por !p0, !p0;
	_ =	swait.ge @!p1 [sflag:s15], $0x2000  }
0x1c: {  	s12 =	smov.u32 s9;
	[sflag:s15] =	ssyncset.done @!p1 $0x0;
	s9 =	smov.u32 s14  }
0x1d: {  	s11 =	sadd.s32 $0x1, s11;
	[sflag:s15] =	ssyncadd.s32 @!p1 $0xFFFFE000;
	s10 =	smov.u32 s16  }
.LBB1_1:
0x1e: {  	p1 =	sge.u32 s11, s5  }
0x1f: {  	s14 =	sand.u32 @!p1 $0x1FFFFFF, s9  }
0x20: {  	s15 =	smulhi.u32 @!p1 $0x147AE15, s14;
	_ =	sdelay $0x1  }
0x21: {  	s15 =	smul.u32 @!p1 $0xC8, s15  }
0x22: {  	s16 =	sxor.u32 @!p1 $0xFFFFFFFF, s11;
	s17 =	smul.u32 @!p1 $0xC80, s10  }
0x23: {  	s31 =	sadd.s32 $0xFFFFFFFF, s11;
	s16 =	sshll.u32 @!p1 s16, $0xD;
	s14 =	ssub.s32 @!p1 s14, s15  }
0x24: {  	s15 =	sand.u32 @!p1 $0x2000, s16;
	s16 =	sadd.s32 @!p1 s6, s17;
	s14 =	sshll.u32 @!p1 s14, $0x4  }
0x25: {  	s17 =	simm.s32 @!p1 $0x6400;
	s14 =	sadd.s32 @!p1 s14, s16;
	s16 =	simm.s32 @!p1 $0x40  }
0x26: {  	[tilespmem:s15], [sflag:$0x1] =	stream.strided.gather @!p1 [hbm4b:s14+s16], $0x2000, s17, s16, $0x38;
	[tilespmem:$0x8080] =	vst v63  }
0x27: {  	p1 =	sge.u32 s31, s5  }
.Ltmp2:
0x28: {  	_ = 	snop;
	(pc) =	sbr.rel @p1 .LBB1_5-.Ltmp2, $1  }
0x29: {  	_ =	sdelay $0x3  }
0x2a: {  	s14 =	simm.s32 $0x1  }
0x2b: {  	_ =	swait.ge [sflag:s4], $0x2000;
	s14 =	simm.s32 @!p0 $0x0  }
0x2c: {  	[sflag:s4] =	ssyncset.done $0x0;
	s15 =	sshll.u32 s14, $0xD  }
0x2d: {  	[sflag:s4] =	ssyncadd.s32 $0xFFFFE000;
	s18 =	sor.u32 $0x20, s15  }
0x2e: {  	s14 =	smul.u32 $0x8100, s14;
	v3 =	vld [tilespmem:s18+$0x10]  }
0x2f: {  	s30 =	sand.u32 $0x1, s11;
	v2 =	vld [tilespmem:s18+$0xFFFFFFF0]  }
0x30: {  	s15 =	smul.u32 $0x8100, s30;
	s14 =	sshrl.u32 s14, $0x2;
	v0 =	vld [tilespmem:s18+$0x0]  }
0x31: {  	v1 =	vld [tilespmem:s18+$0xFFFFFFE0];
	s16 =	sor.u32 $0x4000, s14  }
0x32: {  	s31 =	sshrl.u32 s15, $0x2;
	s15 =	sadd.s32 $0x0, s16  }
0x33: {  	s17 =	simm.s32 $0x4;
	s18 =	sadd.s32 $0x40, s18;
	s14 =	sor.u32 $0x4000, s31;
	[tilespmem:s15+$0x1830 ss:$0x81] =	vst.msk $0xffff, v3  }
.LBB1_3:
0x34: {  	v3 =	vld [tilespmem:s18+$0x10];
	p1 =	sne.s32 s17, $0x1FC;
	[tilespmem:s15+$0x810 ss:$0x81] =	vst.msk $0xffff, v2;
	s19 =	smov.u32 s17;
	s17 =	sadd.s32 $0x4, s17  }
.Ltmp3:
0x35: {  	v2 =	vld [tilespmem:s18+$0xFFFFFFF0];
	[tilespmem:s15+$0x1020 ss:$0x81] =	vst.msk $0xffff, v0;
	(pc) =	sbr.rel @p1 .LBB1_3-.Ltmp3, $4  }
0x36: {  	v0 =	vld [tilespmem:s18+$0x0];
	[tilespmem:s15+$0x0 ss:$0x81] =	vst.msk $0xffff, v1  }
0x37: {  	s15 =	sshra.s32 s19, $0x2;
	v1 =	vld [tilespmem:s18+$0xFFFFFFE0]  }
0x38: {  	s15 =	sadd.s32 s15, s16  }
0x39: {  	s18 =	sadd.s32 $0x40, s18;
	[tilespmem:s15+$0x1830 ss:$0x81] =	vst.msk $0xffff, v3  }
.Ltmp4:
0x3a: {  	_ = 	snop;
	(pc) =	sbr.rel .LBB1_4-.Ltmp4, $1  }
0x3b: {  	_ =	sdelay $0x3  }
.LBB1_6:
0x3c: {  	_ =	sfence.sel $0x180000  }
0x3d: {  	s2 =	simm.s32 $0x1;
	[bflag:$0x0] =	sbarrier.arrive $0xFFFF  }
0x3e: {  	s31 =	simm.s32 $0x2;
	[sflag:s2] =	ssyncpa.u1 $0x1  }
0x3f: {  	[sflag:s31] =	ssyncpa.u1 $0x1  }
0x40: {  	p0 =	sne.s32 s0, $0x0;
	_ =	strace $0x9000004A  }
0x41: {  	s0 =	sadd.s32 @!p0 $0x100000, s1;
	[bflag:$0x2] =	sbarrier.arrive $0xFFFF  }
0x42: {  	[sflag:s0] =	ssyncadd.tile.s32 @!p0 $0x1;
	_ =	shalt  }
.Lfunc_end1:
_tile_overlayer_lowered:
.L_overlay_start_2:
0x43: {  	(tag) =	ssettag $0x2  }
0x44: {  	s0 =	rddreg [dreg:$0x0];
	s2 =	stileid.u32  }
0x45: {  	s1 =	rddreg [dreg:$0x1];
	p0 =	sne.s32 s2, $0x0  }
0x46: {  	s3 =	rddreg [dreg:$0x2];
	[bflag:$0x3] =	sbarrier.arrive $0xFFFF;
	s2 =	simm.s32 @!p0 $0x1C01  }
0x47: {  	[timem:s3], [sflag:s2] =	dma.local @!p0 [hbm:s0], s1  }
0x48: {  	s0 =	simm.s32 @!p0 $0x1  }
0x49: {  	_ =	swait.ge @!p0 [sflag:s0], s1  }
0x4a: {  	s1 =	ssub.s32 @!p0 $0x0, s1;
	[sflag:s0] =	ssyncset.done @!p0 $0x0  }
0x4b: {  	[sflag:s0] =	ssyncadd.s32 @!p0 s1  }
0x4c: {  	[bflag:$0x3] =	sbarrier.arrive $0xFFFF  }
0x4d: {  	_ =	shalt  }

</sc_bundles>
